<compile_context>
chip_gen: v7x
topology: tpu7x:2x2x1
jax: 0.10.2.dev20260603
libtpu: 0.0.44.dev20260713+nightly
codegen_flags: <defaults>
</compile_context>

<pallas_src>
import functools

import jax
import jax.numpy as jnp
from jax import lax
from jax.experimental import pallas as pl
from jax.experimental.pallas import tpu as pltpu
from jax.experimental.pallas import tpu_sc as plsc

BATCH = 4096
D = 4096
SIZE = 64
NC = 2
NS = 16
NW = NC * NS
BSC = 1536
RPW = BSC // NW
CH = 8
NCHUNK = RPW // CH
NPAIR = NCHUNK // 2
L = 16
UNROLL = 16
NGROUP = D // (UNROLL * L)
TCB = 512
_BIG = 1 << 30


def _row_kernel(s_hbm, out_hbm, buf, o3, sem0, sem1, osem):
  wid = lax.axis_index("s") * NC + lax.axis_index("c")
  base = wid * RPW
  iota = lax.iota(jnp.int32, L)

  def chunk_copy(g, half, sem):
    return pltpu.make_async_copy(
        s_hbm.at[pl.ds(base + g * CH, CH)],
        buf.at[pl.ds(half * CH, CH)], sem)

  def process_row(rr, accs):
    acc0, acc1 = accs

    def step(i, carry):
      ba, ia, bb, ib = carry
      ibase = jnp.broadcast_to(i, (L,))
      for u in range(0, UNROLL, 2):
        va = buf[rr, pl.ds((i * UNROLL + u) * L, L)]
        vb = buf[rr, pl.ds((i * UNROLL + u + 1) * L, L)]
        ma = va > ba
        mb = vb > bb
        ba = jnp.where(ma, va, ba)
        ia = jnp.where(ma, ibase, ia)
        bb = jnp.where(mb, vb, bb)
        ib = jnp.where(mb, ibase, ib)
      return ba, ia, bb, ib

    ninf = jnp.full((L,), -jnp.inf, jnp.float32)
    zi = jnp.zeros((L,), jnp.int32)
    ba, ia, bb, ib = lax.fori_loop(0, NGROUP, step, (ninf, zi, ninf, zi))
    takeb = (bb > ba) | ((bb == ba) & (ib < ia))
    best = jnp.where(takeb, bb, ba)
    besti = jnp.where(takeb, ib, ia)

    m = best
    for k in (8, 4, 2, 1):
      m = jnp.maximum(m, m.at[iota ^ k].get(mode="promise_in_bounds"))
    candg = jnp.where(best == m, besti, _BIG)
    for k in (8, 4, 2, 1):
      candg = jnp.minimum(candg,
                          candg.at[iota ^ k].get(mode="promise_in_bounds"))
    gstar = candg[0]
    gcol = gstar * (UNROLL * L)
    pos_a = jnp.full((L,), _BIG, jnp.int32)
    pos_b = jnp.full((L,), _BIG, jnp.int32)
    for u in range(0, UNROLL, 2):
      va = buf[rr, pl.ds(gcol + u * L, L)]
      vb = buf[rr, pl.ds(gcol + (u + 1) * L, L)]
      pos_a = jnp.minimum(pos_a, jnp.where(va == m, iota + u * L, pos_a))
      pos_b = jnp.minimum(pos_b,
                          jnp.where(vb == m, iota + (u + 1) * L, pos_b))
    pos = jnp.minimum(pos_a, pos_b)
    for k in (8, 4, 2, 1):
      pos = jnp.minimum(pos, pos.at[iota ^ k].get(mode="promise_in_bounds"))
    idx = pos + jnp.broadcast_to(gcol, (L,))

    at_top = idx < SIZE
    at_left = (idx > 0) & ((idx & (SIZE - 1)) == 0)
    p0 = jnp.where(at_top, 0.0, jnp.where(at_left, 1.0, 0.5))
    p1 = jnp.where(at_top, 1.0, jnp.where(at_left, 0.0, 0.5))

    lanemask = iota == rr
    acc0 = jnp.where(lanemask, p0, acc0)
    acc1 = jnp.where(lanemask, p1, acc1)
    return acc0, acc1

  chunk_copy(0, 0, sem0).start()
  chunk_copy(1, 1, sem1).start()

  def chunk_iter(g, accs):
    even = (g & 1) == 0

    @pl.when(even)
    def _():
      chunk_copy(g, 0, sem0).wait()

    @pl.when(jnp.logical_not(even))
    def _():
      chunk_copy(g, 1, sem1).wait()

    rowbase = (g & 1) * CH
    acc0 = jnp.where(even, 0.0, accs[0])
    acc1 = jnp.where(even, 0.0, accs[1])
    acc0, acc1 = lax.fori_loop(
        0, CH, lambda rr, a: process_row(rowbase + rr, a), (acc0, acc1))

    @pl.when(even & (g + 2 < NCHUNK))
    def _():
      chunk_copy(g + 2, 0, sem0).start()

    @pl.when(jnp.logical_not(even) & (g + 2 < NCHUNK))
    def _():
      chunk_copy(g + 2, 1, sem1).start()

    @pl.when(jnp.logical_not(even))
    def _():
      for j in range(3):
        q = iota + (L * j)
        rowsel = (q * 21846) >> 16
        colsel = q - rowsel * 3
        g0 = acc0.at[rowsel].get(mode="promise_in_bounds")
        g1 = acc1.at[rowsel].get(mode="promise_in_bounds")
        outj = jnp.where(colsel == 0, g0, jnp.where(colsel == 1, g1, 0.0))
        o3[pl.ds((g >> 1) * (2 * CH * 3) + j * L, L)] = outj

    return acc0, acc1

  lax.fori_loop(0, NCHUNK, chunk_iter,
                (jnp.zeros((L,), jnp.float32), jnp.zeros((L,), jnp.float32)))

  pltpu.make_async_copy(
      o3, out_hbm.at[pl.ds(base * 3, RPW * 3)], osem).start()
  pltpu.make_async_copy(
      o3, out_hbm.at[pl.ds(base * 3, RPW * 3)], osem).wait()


def _tc_body(x_ref, o_ref):
  x = x_ref[...]
  idx = jnp.argmax(x, axis=1).astype(jnp.int32)
  at_top = idx < SIZE
  at_left = (idx > 0) & ((idx & (SIZE - 1)) == 0)
  p0 = jnp.where(at_top, 0.0, jnp.where(at_left, 1.0, 0.5))
  p1 = jnp.where(at_top, 1.0, jnp.where(at_left, 0.0, 0.5))
  z = jnp.zeros_like(p0)
  o_ref[...] = jnp.stack([p0, p1, z], axis=1)


@jax.jit
def kernel(s):
  tc_probs = pl.pallas_call(
      _tc_body,
      grid=((BATCH - BSC) // TCB,),
      in_specs=[pl.BlockSpec((TCB, D), lambda i: (i + BSC // TCB, 0))],
      out_specs=pl.BlockSpec((TCB, 3), lambda i: (i, 0)),
      out_shape=jax.ShapeDtypeStruct((BATCH - BSC, 3), jnp.float32),
  )(s)
  sc_flat = pl.kernel(
      _row_kernel,
      out_type=jax.ShapeDtypeStruct((BSC * 3,), jnp.float32),
      mesh=plsc.VectorSubcoreMesh(core_axis_name="c", subcore_axis_name="s"),
      scratch_types=[
          pltpu.VMEM((2 * CH, D), jnp.float32),
          pltpu.VMEM((RPW * 3,), jnp.float32),
          pltpu.SemaphoreType.DMA,
          pltpu.SemaphoreType.DMA,
          pltpu.SemaphoreType.DMA,
      ],
  )(s)
  return jnp.concatenate([sc_flat.reshape(BSC, 3), tc_probs], axis=0)

# --- scband reference (transcript-rebuilt; emitter-appended) ---
"""Pipeline reference for scband-backward-policy-23733989277726 (READ-ONLY COPY).

The authoritative reference and input builder live on the scoring server;
editing this copy changes nothing except your own understanding.
"""

import jax, jax.numpy as jnp
import numpy as np

STATE_DIM = 4096
NUM_ACTIONS = 3
SIZE = int(STATE_DIM ** 0.5)  # 64
BATCH = 4096


def setup_inputs(seed: int = 0) -> dict:
    key = jax.random.key(seed)
    s = jax.random.normal(key, (BATCH, STATE_DIM), dtype=jnp.float32)
    return {"s": s}


def reference(s):
    # idx = s.argmax(-1)
    idx = jnp.argmax(s, axis=-1)
    at_top_edge = idx < SIZE
    at_left_edge = (idx > 0) & (idx % SIZE == 0)
    # probs = 0.5 * ones(len(s), num_actions)
    probs = 0.5 * jnp.ones((s.shape[0], NUM_ACTIONS), dtype=jnp.float32)
    # probs[at_left_edge] = [1, 0, 0]  (masked row overwrite)
    left_row = jnp.array([1.0, 0.0, 0.0], dtype=jnp.float32)
    probs = jnp.where(at_left_edge[:, None], left_row[None, :], probs)
    # probs[at_top_edge] = [0, 1, 0]  (applied after, so it overwrites left-edge rows where both hold)
    top_row = jnp.array([0.0, 1.0, 0.0], dtype=jnp.float32)
    probs = jnp.where(at_top_edge[:, None], top_row[None, :], probs)
    # probs[:, -1] = 0  (column scatter-overwrite)
    probs = probs.at[:, -1].set(0.0)
    return probs

if __name__ == "__main__":
    import jax
    _d = setup_inputs()
    print(jax.jit(kernel)(*tuple(_d.values())))

</pallas_src>

<mosaic_0001>
#map = affine_map<(d0, d1) -> (0, 0)>
#map1 = affine_map<(d0, d1) -> (0)>
module attributes {stable_mosaic.version = 14 : i64} {
  func.func @_row_kernel(%arg0: i32, %arg1: i32, %arg2: memref<4096x4096xf32, #tpu.memory_space<hbm>>, %arg3: memref<4608xf32, #tpu.memory_space<hbm>>, %arg4: memref<16x4096xf32, #tpu.memory_space<vmem>>, %arg5: memref<144xf32, #tpu.memory_space<vmem>>, %arg6: memref<!tpu.dma_semaphore, #tpu.memory_space<semaphore_mem>>, %arg7: memref<!tpu.dma_semaphore, #tpu.memory_space<semaphore_mem>>, %arg8: memref<!tpu.dma_semaphore, #tpu.memory_space<semaphore_mem>>) attributes {dimension_semantics = [#tpu.dimension_semantics<core_parallel>, #tpu.dimension_semantics<subcore_parallel>], iteration_bounds = array<i64: 2, 16>, scalar_prefetch = 0 : i64, scratch_operands = 5 : i64, tpu.core_type = #tpu.core_type<sc_vector_subcore>, window_params = [{transform_indices = #map}, {transform_indices = #map1}]} {
    %mul3A = arith.constant 2 : i32
    %mul3A_0 = arith.muli %arg1, %mul3A : i32
    %add3A = arith.addi %mul3A_0, %arg0 : i32
    %mul3A_1 = arith.constant 48 : i32
    %mul3A_2 = arith.muli %add3A, %mul3A_1 : i32
    %iota3A = tpu.iota {dimensions = array<i32: 0>} : vector<16xi32>
    %add3A_3 = arith.constant 0 : i32
    %add3A_4 = arith.addi %mul3A_2, %add3A_3 : i32
    %dma_start3A = arith.constant 0 : i32
    %dma_start3A_5 = arith.constant 0 : i32
    %dma_start3A_6 = tpu.memref_slice %arg4[%dma_start3A, %dma_start3A_5] : memref<16x4096xf32, #tpu.memory_space<vmem>> -> memref<8x4096xf32, #tpu.memory_space<vmem>>
    %dma_start3A_7 = arith.constant 0 : i32
    %dma_start3A_8 = tpu.memref_slice %arg2[%add3A_4, %dma_start3A_7] : memref<4096x4096xf32, #tpu.memory_space<hbm>> -> memref<8x4096xf32, #tpu.memory_space<hbm>>
    %dma_start3A_9 = arith.constant 0 : i32
    %dma_start3A_10 = arith.constant 0 : i32
    %dma_start3A_11 = tpu.memref_slice %arg4[%dma_start3A_9, %dma_start3A_10] : memref<16x4096xf32, #tpu.memory_space<vmem>> -> memref<8x4096xf32, #tpu.memory_space<vmem>>
    %dma_start3A_12 = arith.constant 0 : i32
    %dma_start3A_13 = tpu.memref_slice %arg2[%add3A_4, %dma_start3A_12] : memref<4096x4096xf32, #tpu.memory_space<hbm>> -> memref<8x4096xf32, #tpu.memory_space<hbm>>
    tpu.enqueue_dma source(%dma_start3A_13 : memref<8x4096xf32, #tpu.memory_space<hbm>>) target(%dma_start3A_11 : memref<8x4096xf32, #tpu.memory_space<vmem>>) target_semaphore(%arg6 : memref<!tpu.dma_semaphore, #tpu.memory_space<semaphore_mem>>)
    %add3A_14 = arith.constant 8 : i32
    %add3A_15 = arith.addi %mul3A_2, %add3A_14 : i32
    %dma_start3A_16 = arith.constant 8 : i32
    %dma_start3A_17 = arith.constant 0 : i32
    %dma_start3A_18 = tpu.memref_slice %arg4[%dma_start3A_16, %dma_start3A_17] : memref<16x4096xf32, #tpu.memory_space<vmem>> -> memref<8x4096xf32, #tpu.memory_space<vmem>>
    %dma_start3A_19 = arith.constant 0 : i32
    %dma_start3A_20 = tpu.memref_slice %arg2[%add3A_15, %dma_start3A_19] : memref<4096x4096xf32, #tpu.memory_space<hbm>> -> memref<8x4096xf32, #tpu.memory_space<hbm>>
    %dma_start3A_21 = arith.constant 8 : i32
    %dma_start3A_22 = arith.constant 0 : i32
    %dma_start3A_23 = tpu.memref_slice %arg4[%dma_start3A_21, %dma_start3A_22] : memref<16x4096xf32, #tpu.memory_space<vmem>> -> memref<8x4096xf32, #tpu.memory_space<vmem>>
    %dma_start3A_24 = arith.constant 0 : i32
    %dma_start3A_25 = tpu.memref_slice %arg2[%add3A_15, %dma_start3A_24] : memref<4096x4096xf32, #tpu.memory_space<hbm>> -> memref<8x4096xf32, #tpu.memory_space<hbm>>
    tpu.enqueue_dma source(%dma_start3A_25 : memref<8x4096xf32, #tpu.memory_space<hbm>>) target(%dma_start3A_23 : memref<8x4096xf32, #tpu.memory_space<vmem>>) target_semaphore(%arg7 : memref<!tpu.dma_semaphore, #tpu.memory_space<semaphore_mem>>)
    %broadcast_in_dim3A = arith.constant 0.000000e+00 : f32
    %broadcast_in_dim3A_26 = vector.broadcast %broadcast_in_dim3A : f32 to vector<16xf32>
    %broadcast_in_dim3A_27 = arith.constant 0.000000e+00 : f32
    %broadcast_in_dim3A_28 = vector.broadcast %broadcast_in_dim3A_27 : f32 to vector<16xf32>
    %scan3A = arith.constant 0 : i32
    %scan3A_29 = arith.constant 6 : i32
    %scan3A_30 = arith.addi %scan3A, %scan3A_29 : i32
    %scan3A_31 = arith.constant 1 : i32
    %scan3A_32:2 = scf.for %scan3A_41 = %scan3A to %scan3A_30 step %scan3A_31 iter_args(%scan3A_42 = %broadcast_in_dim3A_26, %scan3A_43 = %broadcast_in_dim3A_28) -> (vector<16xf32>, vector<16xf32>)  : i32 {
      %and3A = arith.constant 1 : i32
      %and3A_44 = arith.andi %scan3A_41, %and3A : i32
      %eq3A = arith.constant 0 : i32
      %eq3A_45 = arith.cmpi eq, %and3A_44, %eq3A : i32
      %convert_element_type3A = arith.extui %eq3A_45 : i1 to i32
      %cond3A = arith.constant 0 : i32
      %cond3A_46 = arith.cmpi ne, %convert_element_type3A, %cond3A : i32
      scf.if %cond3A_46 {
        %mul3A_87 = arith.constant 8 : i32
        %mul3A_88 = arith.muli %scan3A_41, %mul3A_87 : i32
        %add3A_89 = arith.addi %mul3A_2, %mul3A_88 : i32
        %dma_wait3A_90 = arith.constant 0 : i32
        %dma_wait3A_91 = arith.constant 0 : i32
        %dma_wait3A_92 = tpu.memref_slice %arg4[%dma_wait3A_90, %dma_wait3A_91] : memref<16x4096xf32, #tpu.memory_space<vmem>> -> memref<8x4096xf32, #tpu.memory_space<vmem>>
        %dma_wait3A_93 = arith.constant 0 : i32
        %dma_wait3A_94 = tpu.memref_slice %arg2[%add3A_89, %dma_wait3A_93] : memref<4096x4096xf32, #tpu.memory_space<hbm>> -> memref<8x4096xf32, #tpu.memory_space<hbm>>
        %dma_wait3A_95 = arith.constant 0 : i32
        %dma_wait3A_96 = arith.constant 0 : i32
        %dma_wait3A_97 = tpu.memref_slice %arg4[%dma_wait3A_95, %dma_wait3A_96] : memref<16x4096xf32, #tpu.memory_space<vmem>> -> memref<8x4096xf32, #tpu.memory_space<vmem>>
        %dma_wait3A_98 = arith.constant 0 : i32
        %dma_wait3A_99 = tpu.memref_slice %arg2[%add3A_89, %dma_wait3A_98] : memref<4096x4096xf32, #tpu.memory_space<hbm>> -> memref<8x4096xf32, #tpu.memory_space<hbm>>
        tpu.wait_dma2 semaphore(%arg6 : memref<!tpu.dma_semaphore, #tpu.memory_space<semaphore_mem>>) src(%dma_wait3A_99 : memref<8x4096xf32, #tpu.memory_space<hbm>>) dst(%dma_wait3A_97 : memref<8x4096xf32, #tpu.memory_space<vmem>>)
      } else {
      }
      %not3A = arith.constant true
      %not3A_47 = arith.xori %eq3A_45, %not3A : i1
      %convert_element_type3A_48 = arith.extui %not3A_47 : i1 to i32
      %cond3A_49 = arith.constant 0 : i32
      %cond3A_50 = arith.cmpi ne, %convert_element_type3A_48, %cond3A_49 : i32
      scf.if %cond3A_50 {
        %mul3A_87 = arith.constant 8 : i32
        %mul3A_88 = arith.muli %scan3A_41, %mul3A_87 : i32
        %add3A_89 = arith.addi %mul3A_2, %mul3A_88 : i32
        %dma_wait3A_90 = arith.constant 8 : i32
        %dma_wait3A_91 = arith.constant 0 : i32
        %dma_wait3A_92 = tpu.memref_slice %arg4[%dma_wait3A_90, %dma_wait3A_91] : memref<16x4096xf32, #tpu.memory_space<vmem>> -> memref<8x4096xf32, #tpu.memory_space<vmem>>
        %dma_wait3A_93 = arith.constant 0 : i32
        %dma_wait3A_94 = tpu.memref_slice %arg2[%add3A_89, %dma_wait3A_93] : memref<4096x4096xf32, #tpu.memory_space<hbm>> -> memref<8x4096xf32, #tpu.memory_space<hbm>>
        %dma_wait3A_95 = arith.constant 8 : i32
        %dma_wait3A_96 = arith.constant 0 : i32
        %dma_wait3A_97 = tpu.memref_slice %arg4[%dma_wait3A_95, %dma_wait3A_96] : memref<16x4096xf32, #tpu.memory_space<vmem>> -> memref<8x4096xf32, #tpu.memory_space<vmem>>
        %dma_wait3A_98 = arith.constant 0 : i32
        %dma_wait3A_99 = tpu.memref_slice %arg2[%add3A_89, %dma_wait3A_98] : memref<4096x4096xf32, #tpu.memory_space<hbm>> -> memref<8x4096xf32, #tpu.memory_space<hbm>>
        tpu.wait_dma2 semaphore(%arg7 : memref<!tpu.dma_semaphore, #tpu.memory_space<semaphore_mem>>) src(%dma_wait3A_99 : memref<8x4096xf32, #tpu.memory_space<hbm>>) dst(%dma_wait3A_97 : memref<8x4096xf32, #tpu.memory_space<vmem>>)
      } else {
      }
      %and3A_51 = arith.constant 1 : i32
      %and3A_52 = arith.andi %scan3A_41, %and3A_51 : i32
      %mul3A_53 = arith.constant 8 : i32
      %mul3A_54 = arith.muli %and3A_52, %mul3A_53 : i32
      %jit3A = arith.constant 0.000000e+00 : f32
      %broadcast_in_dim3A_55 = vector.broadcast %jit3A : f32 to vector<16xf32>
      %select_n3A = arith.select %eq3A_45, %broadcast_in_dim3A_55, %scan3A_42 : vector<16xf32>
      %jit3A_56 = arith.constant 0.000000e+00 : f32
      %broadcast_in_dim3A_57 = vector.broadcast %jit3A_56 : f32 to vector<16xf32>
      %select_n3A_58 = arith.select %eq3A_45, %broadcast_in_dim3A_57, %scan3A_43 : vector<16xf32>
      %scan3A_59 = arith.constant 0 : i32
      %scan3A_60 = arith.constant 8 : i32
      %scan3A_61 = arith.addi %scan3A_59, %scan3A_60 : i32
      %scan3A_62 = arith.constant 1 : i32
      %scan3A_63:2 = scf.for %scan3A_87 = %scan3A_59 to %scan3A_61 step %scan3A_62 iter_args(%scan3A_88 = %select_n3A, %scan3A_89 = %select_n3A_58) -> (vector<16xf32>, vector<16xf32>)  : i32 {
        %add3A_90 = arith.addi %mul3A_54, %scan3A_87 : i32
        %broadcast_in_dim3A_91 = arith.constant 0xFF800000 : f32
        %broadcast_in_dim3A_92 = vector.broadcast %broadcast_in_dim3A_91 : f32 to vector<16xf32>
        %broadcast_in_dim3A_93 = arith.constant 0 : i32
        %broadcast_in_dim3A_94 = vector.broadcast %broadcast_in_dim3A_93 : i32 to vector<16xi32>
        %scan3A_95 = arith.constant 0 : i32
        %scan3A_96 = arith.constant 16 : i32
        %scan3A_97 = arith.addi %scan3A_95, %scan3A_96 : i32
        %scan3A_98 = arith.constant 1 : i32
        %scan3A_99:4 = scf.for %scan3A_507 = %scan3A_95 to %scan3A_97 step %scan3A_98 iter_args(%scan3A_508 = %broadcast_in_dim3A_92, %scan3A_509 = %broadcast_in_dim3A_94, %scan3A_510 = %broadcast_in_dim3A_92, %scan3A_511 = %broadcast_in_dim3A_94) -> (vector<16xf32>, vector<16xi32>, vector<16xf32>, vector<16xi32>)  : i32 {
          %broadcast_in_dim3A_512 = vector.broadcast %scan3A_507 : i32 to vector<16xi32>
          %mul3A_513 = arith.constant 16 : i32
          %mul3A_514 = arith.muli %scan3A_507, %mul3A_513 : i32
          %add3A_515 = arith.constant 0 : i32
          %add3A_516 = arith.addi %mul3A_514, %add3A_515 : i32
          %mul3A_517 = arith.constant 16 : i32
          %mul3A_518 = arith.muli %add3A_516, %mul3A_517 : i32
          %get3A_519 = arith.index_cast %add3A_90 : i32 to index
          %get3A_520 = arith.index_cast %mul3A_518 : i32 to index
          %get3A_521 = tpu.vector_load %arg4[%get3A_519, %get3A_520] {strides = array<i32>} : memref<16x4096xf32, #tpu.memory_space<vmem>>, vector<1x16xf32>,
          %get3A_522 = vector.shape_cast %get3A_521 : vector<1x16xf32> to vector<16xf32>
          %mul3A_523 = arith.constant 16 : i32
          %mul3A_524 = arith.muli %scan3A_507, %mul3A_523 : i32
          %add3A_525 = arith.constant 0 : i32
          %add3A_526 = arith.addi %mul3A_524, %add3A_525 : i32
          %add3A_527 = arith.constant 1 : i32
          %add3A_528 = arith.addi %add3A_526, %add3A_527 : i32
          %mul3A_529 = arith.constant 16 : i32
          %mul3A_530 = arith.muli %add3A_528, %mul3A_529 : i32
          %get3A_531 = arith.index_cast %add3A_90 : i32 to index
          %get3A_532 = arith.index_cast %mul3A_530 : i32 to index
          %get3A_533 = tpu.vector_load %arg4[%get3A_531, %get3A_532] {strides = array<i32>} : memref<16x4096xf32, #tpu.memory_space<vmem>>, vector<1x16xf32>,
          %get3A_534 = vector.shape_cast %get3A_533 : vector<1x16xf32> to vector<16xf32>
          %gt3A_535 = arith.cmpf ogt, %get3A_522, %scan3A_508 : vector<16xf32>
          %gt3A_536 = arith.cmpf ogt, %get3A_534, %scan3A_510 : vector<16xf32>
          %select_n3A_537 = arith.select %gt3A_535, %get3A_522, %scan3A_508 : vector<16xi1>, vector<16xf32>
          %select_n3A_538 = arith.select %gt3A_535, %broadcast_in_dim3A_512, %scan3A_509 : vector<16xi1>, vector<16xi32>
          %select_n3A_539 = arith.select %gt3A_536, %get3A_534, %scan3A_510 : vector<16xi1>, vector<16xf32>
          %select_n3A_540 = arith.select %gt3A_536, %broadcast_in_dim3A_512, %scan3A_511 : vector<16xi1>, vector<16xi32>
          %mul3A_541 = arith.constant 16 : i32
          %mul3A_542 = arith.muli %scan3A_507, %mul3A_541 : i32
          %add3A_543 = arith.constant 2 : i32
          %add3A_544 = arith.addi %mul3A_542, %add3A_543 : i32
          %mul3A_545 = arith.constant 16 : i32
          %mul3A_546 = arith.muli %add3A_544, %mul3A_545 : i32
          %get3A_547 = arith.index_cast %add3A_90 : i32 to index
          %get3A_548 = arith.index_cast %mul3A_546 : i32 to index
          %get3A_549 = tpu.vector_load %arg4[%get3A_547, %get3A_548] {strides = array<i32>} : memref<16x4096xf32, #tpu.memory_space<vmem>>, vector<1x16xf32>,
          %get3A_550 = vector.shape_cast %get3A_549 : vector<1x16xf32> to vector<16xf32>
          %mul3A_551 = arith.constant 16 : i32
          %mul3A_552 = arith.muli %scan3A_507, %mul3A_551 : i32
          %add3A_553 = arith.constant 2 : i32
          %add3A_554 = arith.addi %mul3A_552, %add3A_553 : i32
          %add3A_555 = arith.constant 1 : i32
          %add3A_556 = arith.addi %add3A_554, %add3A_555 : i32
          %mul3A_557 = arith.constant 16 : i32
          %mul3A_558 = arith.muli %add3A_556, %mul3A_557 : i32
          %get3A_559 = arith.index_cast %add3A_90 : i32 to index
          %get3A_560 = arith.index_cast %mul3A_558 : i32 to index
          %get3A_561 = tpu.vector_load %arg4[%get3A_559, %get3A_560] {strides = array<i32>} : memref<16x4096xf32, #tpu.memory_space<vmem>>, vector<1x16xf32>,
          %get3A_562 = vector.shape_cast %get3A_561 : vector<1x16xf32> to vector<16xf32>
          %gt3A_563 = arith.cmpf ogt, %get3A_550, %select_n3A_537 : vector<16xf32>
          %gt3A_564 = arith.cmpf ogt, %get3A_562, %select_n3A_539 : vector<16xf32>
          %select_n3A_565 = arith.select %gt3A_563, %get3A_550, %select_n3A_537 : vector<16xi1>, vector<16xf32>
          %select_n3A_566 = arith.select %gt3A_563, %broadcast_in_dim3A_512, %select_n3A_538 : vector<16xi1>, vector<16xi32>
          %select_n3A_567 = arith.select %gt3A_564, %get3A_562, %select_n3A_539 : vector<16xi1>, vector<16xf32>
          %select_n3A_568 = arith.select %gt3A_564, %broadcast_in_dim3A_512, %select_n3A_540 : vector<16xi1>, vector<16xi32>
          %mul3A_569 = arith.constant 16 : i32
          %mul3A_570 = arith.muli %scan3A_507, %mul3A_569 : i32
          %add3A_571 = arith.constant 4 : i32
          %add3A_572 = arith.addi %mul3A_570, %add3A_571 : i32
          %mul3A_573 = arith.constant 16 : i32
          %mul3A_574 = arith.muli %add3A_572, %mul3A_573 : i32
          %get3A_575 = arith.index_cast %add3A_90 : i32 to index
          %get3A_576 = arith.index_cast %mul3A_574 : i32 to index
          %get3A_577 = tpu.vector_load %arg4[%get3A_575, %get3A_576] {strides = array<i32>} : memref<16x4096xf32, #tpu.memory_space<vmem>>, vector<1x16xf32>,
          %get3A_578 = vector.shape_cast %get3A_577 : vector<1x16xf32> to vector<16xf32>
          %mul3A_579 = arith.constant 16 : i32
          %mul3A_580 = arith.muli %scan3A_507, %mul3A_579 : i32
          %add3A_581 = arith.constant 4 : i32
          %add3A_582 = arith.addi %mul3A_580, %add3A_581 : i32
          %add3A_583 = arith.constant 1 : i32
          %add3A_584 = arith.addi %add3A_582, %add3A_583 : i32
          %mul3A_585 = arith.constant 16 : i32
          %mul3A_586 = arith.muli %add3A_584, %mul3A_585 : i32
          %get3A_587 = arith.index_cast %add3A_90 : i32 to index
          %get3A_588 = arith.index_cast %mul3A_586 : i32 to index
          %get3A_589 = tpu.vector_load %arg4[%get3A_587, %get3A_588] {strides = array<i32>} : memref<16x4096xf32, #tpu.memory_space<vmem>>, vector<1x16xf32>,
          %get3A_590 = vector.shape_cast %get3A_589 : vector<1x16xf32> to vector<16xf32>
          %gt3A_591 = arith.cmpf ogt, %get3A_578, %select_n3A_565 : vector<16xf32>
          %gt3A_592 = arith.cmpf ogt, %get3A_590, %select_n3A_567 : vector<16xf32>
          %select_n3A_593 = arith.select %gt3A_591, %get3A_578, %select_n3A_565 : vector<16xi1>, vector<16xf32>
          %select_n3A_594 = arith.select %gt3A_591, %broadcast_in_dim3A_512, %select_n3A_566 : vector<16xi1>, vector<16xi32>
          %select_n3A_595 = arith.select %gt3A_592, %get3A_590, %select_n3A_567 : vector<16xi1>, vector<16xf32>
          %select_n3A_596 = arith.select %gt3A_592, %broadcast_in_dim3A_512, %select_n3A_568 : vector<16xi1>, vector<16xi32>
          %mul3A_597 = arith.constant 16 : i32
          %mul3A_598 = arith.muli %scan3A_507, %mul3A_597 : i32
          %add3A_599 = arith.constant 6 : i32
          %add3A_600 = arith.addi %mul3A_598, %add3A_599 : i32
          %mul3A_601 = arith.constant 16 : i32
          %mul3A_602 = arith.muli %add3A_600, %mul3A_601 : i32
          %get3A_603 = arith.index_cast %add3A_90 : i32 to index
          %get3A_604 = arith.index_cast %mul3A_602 : i32 to index
          %get3A_605 = tpu.vector_load %arg4[%get3A_603, %get3A_604] {strides = array<i32>} : memref<16x4096xf32, #tpu.memory_space<vmem>>, vector<1x16xf32>,
          %get3A_606 = vector.shape_cast %get3A_605 : vector<1x16xf32> to vector<16xf32>
          %mul3A_607 = arith.constant 16 : i32
          %mul3A_608 = arith.muli %scan3A_507, %mul3A_607 : i32
          %add3A_609 = arith.constant 6 : i32
          %add3A_610 = arith.addi %mul3A_608, %add3A_609 : i32
          %add3A_611 = arith.constant 1 : i32
          %add3A_612 = arith.addi %add3A_610, %add3A_611 : i32
          %mul3A_613 = arith.constant 16 : i32
          %mul3A_614 = arith.muli %add3A_612, %mul3A_613 : i32
          %get3A_615 = arith.index_cast %add3A_90 : i32 to index
          %get3A_616 = arith.index_cast %mul3A_614 : i32 to index
          %get3A_617 = tpu.vector_load %arg4[%get3A_615, %get3A_616] {strides = array<i32>} : memref<16x4096xf32, #tpu.memory_space<vmem>>, vector<1x16xf32>,
          %get3A_618 = vector.shape_cast %get3A_617 : vector<1x16xf32> to vector<16xf32>
          %gt3A_619 = arith.cmpf ogt, %get3A_606, %select_n3A_593 : vector<16xf32>
          %gt3A_620 = arith.cmpf ogt, %get3A_618, %select_n3A_595 : vector<16xf32>
          %select_n3A_621 = arith.select %gt3A_619, %get3A_606, %select_n3A_593 : vector<16xi1>, vector<16xf32>
          %select_n3A_622 = arith.select %gt3A_619, %broadcast_in_dim3A_512, %select_n3A_594 : vector<16xi1>, vector<16xi32>
          %select_n3A_623 = arith.select %gt3A_620, %get3A_618, %select_n3A_595 : vector<16xi1>, vector<16xf32>
          %select_n3A_624 = arith.select %gt3A_620, %broadcast_in_dim3A_512, %select_n3A_596 : vector<16xi1>, vector<16xi32>
          %mul3A_625 = arith.constant 16 : i32
          %mul3A_626 = arith.muli %scan3A_507, %mul3A_625 : i32
          %add3A_627 = arith.constant 8 : i32
          %add3A_628 = arith.addi %mul3A_626, %add3A_627 : i32
          %mul3A_629 = arith.constant 16 : i32
          %mul3A_630 = arith.muli %add3A_628, %mul3A_629 : i32
          %get3A_631 = arith.index_cast %add3A_90 : i32 to index
          %get3A_632 = arith.index_cast %mul3A_630 : i32 to index
          %get3A_633 = tpu.vector_load %arg4[%get3A_631, %get3A_632] {strides = array<i32>} : memref<16x4096xf32, #tpu.memory_space<vmem>>, vector<1x16xf32>,
          %get3A_634 = vector.shape_cast %get3A_633 : vector<1x16xf32> to vector<16xf32>
          %mul3A_635 = arith.constant 16 : i32
          %mul3A_636 = arith.muli %scan3A_507, %mul3A_635 : i32
          %add3A_637 = arith.constant 8 : i32
          %add3A_638 = arith.addi %mul3A_636, %add3A_637 : i32
          %add3A_639 = arith.constant 1 : i32
          %add3A_640 = arith.addi %add3A_638, %add3A_639 : i32
          %mul3A_641 = arith.constant 16 : i32
          %mul3A_642 = arith.muli %add3A_640, %mul3A_641 : i32
          %get3A_643 = arith.index_cast %add3A_90 : i32 to index
          %get3A_644 = arith.index_cast %mul3A_642 : i32 to index
          %get3A_645 = tpu.vector_load %arg4[%get3A_643, %get3A_644] {strides = array<i32>} : memref<16x4096xf32, #tpu.memory_space<vmem>>, vector<1x16xf32>,
          %get3A_646 = vector.shape_cast %get3A_645 : vector<1x16xf32> to vector<16xf32>
          %gt3A_647 = arith.cmpf ogt, %get3A_634, %select_n3A_621 : vector<16xf32>
          %gt3A_648 = arith.cmpf ogt, %get3A_646, %select_n3A_623 : vector<16xf32>
          %select_n3A_649 = arith.select %gt3A_647, %get3A_634, %select_n3A_621 : vector<16xi1>, vector<16xf32>
          %select_n3A_650 = arith.select %gt3A_647, %broadcast_in_dim3A_512, %select_n3A_622 : vector<16xi1>, vector<16xi32>
          %select_n3A_651 = arith.select %gt3A_648, %get3A_646, %select_n3A_623 : vector<16xi1>, vector<16xf32>
          %select_n3A_652 = arith.select %gt3A_648, %broadcast_in_dim3A_512, %select_n3A_624 : vector<16xi1>, vector<16xi32>
          %mul3A_653 = arith.constant 16 : i32
          %mul3A_654 = arith.muli %scan3A_507, %mul3A_653 : i32
          %add3A_655 = arith.constant 10 : i32
          %add3A_656 = arith.addi %mul3A_654, %add3A_655 : i32
          %mul3A_657 = arith.constant 16 : i32
          %mul3A_658 = arith.muli %add3A_656, %mul3A_657 : i32
          %get3A_659 = arith.index_cast %add3A_90 : i32 to index
          %get3A_660 = arith.index_cast %mul3A_658 : i32 to index
          %get3A_661 = tpu.vector_load %arg4[%get3A_659, %get3A_660] {strides = array<i32>} : memref<16x4096xf32, #tpu.memory_space<vmem>>, vector<1x16xf32>,
          %get3A_662 = vector.shape_cast %get3A_661 : vector<1x16xf32> to vector<16xf32>
          %mul3A_663 = arith.constant 16 : i32
          %mul3A_664 = arith.muli %scan3A_507, %mul3A_663 : i32
          %add3A_665 = arith.constant 10 : i32
          %add3A_666 = arith.addi %mul3A_664, %add3A_665 : i32
          %add3A_667 = arith.constant 1 : i32
          %add3A_668 = arith.addi %add3A_666, %add3A_667 : i32
          %mul3A_669 = arith.constant 16 : i32
          %mul3A_670 = arith.muli %add3A_668, %mul3A_669 : i32
          %get3A_671 = arith.index_cast %add3A_90 : i32 to index
          %get3A_672 = arith.index_cast %mul3A_670 : i32 to index
          %get3A_673 = tpu.vector_load %arg4[%get3A_671, %get3A_672] {strides = array<i32>} : memref<16x4096xf32, #tpu.memory_space<vmem>>, vector<1x16xf32>,
          %get3A_674 = vector.shape_cast %get3A_673 : vector<1x16xf32> to vector<16xf32>
          %gt3A_675 = arith.cmpf ogt, %get3A_662, %select_n3A_649 : vector<16xf32>
          %gt3A_676 = arith.cmpf ogt, %get3A_674, %select_n3A_651 : vector<16xf32>
          %select_n3A_677 = arith.select %gt3A_675, %get3A_662, %select_n3A_649 : vector<16xi1>, vector<16xf32>
          %select_n3A_678 = arith.select %gt3A_675, %broadcast_in_dim3A_512, %select_n3A_650 : vector<16xi1>, vector<16xi32>
          %select_n3A_679 = arith.select %gt3A_676, %get3A_674, %select_n3A_651 : vector<16xi1>, vector<16xf32>
          %select_n3A_680 = arith.select %gt3A_676, %broadcast_in_dim3A_512, %select_n3A_652 : vector<16xi1>, vector<16xi32>
          %mul3A_681 = arith.constant 16 : i32
          %mul3A_682 = arith.muli %scan3A_507, %mul3A_681 : i32
          %add3A_683 = arith.constant 12 : i32
          %add3A_684 = arith.addi %mul3A_682, %add3A_683 : i32
          %mul3A_685 = arith.constant 16 : i32
          %mul3A_686 = arith.muli %add3A_684, %mul3A_685 : i32
          %get3A_687 = arith.index_cast %add3A_90 : i32 to index
          %get3A_688 = arith.index_cast %mul3A_686 : i32 to index
          %get3A_689 = tpu.vector_load %arg4[%get3A_687, %get3A_688] {strides = array<i32>} : memref<16x4096xf32, #tpu.memory_space<vmem>>, vector<1x16xf32>,
          %get3A_690 = vector.shape_cast %get3A_689 : vector<1x16xf32> to vector<16xf32>
          %mul3A_691 = arith.constant 16 : i32
          %mul3A_692 = arith.muli %scan3A_507, %mul3A_691 : i32
          %add3A_693 = arith.constant 12 : i32
          %add3A_694 = arith.addi %mul3A_692, %add3A_693 : i32
          %add3A_695 = arith.constant 1 : i32
          %add3A_696 = arith.addi %add3A_694, %add3A_695 : i32
          %mul3A_697 = arith.constant 16 : i32
          %mul3A_698 = arith.muli %add3A_696, %mul3A_697 : i32
          %get3A_699 = arith.index_cast %add3A_90 : i32 to index
          %get3A_700 = arith.index_cast %mul3A_698 : i32 to index
          %get3A_701 = tpu.vector_load %arg4[%get3A_699, %get3A_700] {strides = array<i32>} : memref<16x4096xf32, #tpu.memory_space<vmem>>, vector<1x16xf32>,
          %get3A_702 = vector.shape_cast %get3A_701 : vector<1x16xf32> to vector<16xf32>
          %gt3A_703 = arith.cmpf ogt, %get3A_690, %select_n3A_677 : vector<16xf32>
          %gt3A_704 = arith.cmpf ogt, %get3A_702, %select_n3A_679 : vector<16xf32>
          %select_n3A_705 = arith.select %gt3A_703, %get3A_690, %select_n3A_677 : vector<16xi1>, vector<16xf32>
          %select_n3A_706 = arith.select %gt3A_703, %broadcast_in_dim3A_512, %select_n3A_678 : vector<16xi1>, vector<16xi32>
          %select_n3A_707 = arith.select %gt3A_704, %get3A_702, %select_n3A_679 : vector<16xi1>, vector<16xf32>
          %select_n3A_708 = arith.select %gt3A_704, %broadcast_in_dim3A_512, %select_n3A_680 : vector<16xi1>, vector<16xi32>
          %mul3A_709 = arith.constant 16 : i32
          %mul3A_710 = arith.muli %scan3A_507, %mul3A_709 : i32
          %add3A_711 = arith.constant 14 : i32
          %add3A_712 = arith.addi %mul3A_710, %add3A_711 : i32
          %mul3A_713 = arith.constant 16 : i32
          %mul3A_714 = arith.muli %add3A_712, %mul3A_713 : i32
          %get3A_715 = arith.index_cast %add3A_90 : i32 to index
          %get3A_716 = arith.index_cast %mul3A_714 : i32 to index
          %get3A_717 = tpu.vector_load %arg4[%get3A_715, %get3A_716] {strides = array<i32>} : memref<16x4096xf32, #tpu.memory_space<vmem>>, vector<1x16xf32>,
          %get3A_718 = vector.shape_cast %get3A_717 : vector<1x16xf32> to vector<16xf32>
          %mul3A_719 = arith.constant 16 : i32
          %mul3A_720 = arith.muli %scan3A_507, %mul3A_719 : i32
          %add3A_721 = arith.constant 14 : i32
          %add3A_722 = arith.addi %mul3A_720, %add3A_721 : i32
          %add3A_723 = arith.constant 1 : i32
          %add3A_724 = arith.addi %add3A_722, %add3A_723 : i32
          %mul3A_725 = arith.constant 16 : i32
          %mul3A_726 = arith.muli %add3A_724, %mul3A_725 : i32
          %get3A_727 = arith.index_cast %add3A_90 : i32 to index
          %get3A_728 = arith.index_cast %mul3A_726 : i32 to index
          %get3A_729 = tpu.vector_load %arg4[%get3A_727, %get3A_728] {strides = array<i32>} : memref<16x4096xf32, #tpu.memory_space<vmem>>, vector<1x16xf32>,
          %get3A_730 = vector.shape_cast %get3A_729 : vector<1x16xf32> to vector<16xf32>
          %gt3A_731 = arith.cmpf ogt, %get3A_718, %select_n3A_705 : vector<16xf32>
          %gt3A_732 = arith.cmpf ogt, %get3A_730, %select_n3A_707 : vector<16xf32>
          %select_n3A_733 = arith.select %gt3A_731, %get3A_718, %select_n3A_705 : vector<16xi1>, vector<16xf32>
          %select_n3A_734 = arith.select %gt3A_731, %broadcast_in_dim3A_512, %select_n3A_706 : vector<16xi1>, vector<16xi32>
          %select_n3A_735 = arith.select %gt3A_732, %get3A_730, %select_n3A_707 : vector<16xi1>, vector<16xf32>
          %select_n3A_736 = arith.select %gt3A_732, %broadcast_in_dim3A_512, %select_n3A_708 : vector<16xi1>, vector<16xi32>
          scf.yield %select_n3A_733, %select_n3A_734, %select_n3A_735, %select_n3A_736 : vector<16xf32>, vector<16xi32>, vector<16xf32>, vector<16xi32>
        }
        %scan3A_100 = arith.constant 16 : i32
        %gt3A = arith.cmpf ogt, %scan3A_99#2, %scan3A_99#0 : vector<16xf32>
        %eq3A_101 = arith.cmpf oeq, %scan3A_99#2, %scan3A_99#0 : vector<16xf32>
        %lt3A_102 = arith.cmpi slt, %scan3A_99#3, %scan3A_99#1 : vector<16xi32>
        %and3A_103 = arith.andi %eq3A_101, %lt3A_102 : vector<16xi1>
        %or3A = arith.ori %gt3A, %and3A_103 : vector<16xi1>
        %select_n3A_104 = arith.select %or3A, %scan3A_99#2, %scan3A_99#0 : vector<16xi1>, vector<16xf32>
        %select_n3A_105 = arith.select %or3A, %scan3A_99#3, %scan3A_99#1 : vector<16xi1>, vector<16xi32>
        %xor3A = arith.constant 8 : i32
        %xor3A_106 = vector.broadcast %xor3A : i32 to vector<16xi32>
        %xor3A_107 = arith.xori %iota3A, %xor3A_106 : vector<16xi32>
        %lt3A_108 = arith.constant 0 : i32
        %lt3A_109 = vector.broadcast %lt3A_108 : i32 to vector<16xi32>
        %lt3A_110 = arith.cmpi slt, %xor3A_107, %lt3A_109 : vector<16xi32>
        %add3A_111 = arith.constant 16 : i32
        %add3A_112 = vector.broadcast %add3A_111 : i32 to vector<16xi32>
        %add3A_113 = arith.addi %xor3A_107, %add3A_112 : vector<16xi32>
        %select_n3A_114 = arith.select %lt3A_110, %add3A_113, %xor3A_107 : vector<16xi1>, vector<16xi32>
        %broadcast_in_dim3A_115 = vector.shape_cast %select_n3A_114 : vector<16xi32> to vector<16x1xi32>
        %gather3A = vector.shape_cast %broadcast_in_dim3A_115 : vector<16x1xi32> to vector<16xi32>
        %gather3A_116 = tpu.dynamic_gather %select_n3A_104[%gather3A] in [0] : vector<16xf32>, vector<16xi32> -> vector<16xf32>
        %max3A = arith.maximumf %select_n3A_104, %gather3A_116 : vector<16xf32>
        %xor3A_117 = arith.constant 4 : i32
        %xor3A_118 = vector.broadcast %xor3A_117 : i32 to vector<16xi32>
        %xor3A_119 = arith.xori %iota3A, %xor3A_118 : vector<16xi32>
        %lt3A_120 = arith.constant 0 : i32
        %lt3A_121 = vector.broadcast %lt3A_120 : i32 to vector<16xi32>
        %lt3A_122 = arith.cmpi slt, %xor3A_119, %lt3A_121 : vector<16xi32>
        %add3A_123 = arith.constant 16 : i32
        %add3A_124 = vector.broadcast %add3A_123 : i32 to vector<16xi32>
        %add3A_125 = arith.addi %xor3A_119, %add3A_124 : vector<16xi32>
        %select_n3A_126 = arith.select %lt3A_122, %add3A_125, %xor3A_119 : vector<16xi1>, vector<16xi32>
        %broadcast_in_dim3A_127 = vector.shape_cast %select_n3A_126 : vector<16xi32> to vector<16x1xi32>
        %gather3A_128 = vector.shape_cast %broadcast_in_dim3A_127 : vector<16x1xi32> to vector<16xi32>
        %gather3A_129 = tpu.dynamic_gather %max3A[%gather3A_128] in [0] : vector<16xf32>, vector<16xi32> -> vector<16xf32>
        %max3A_130 = arith.maximumf %max3A, %gather3A_129 : vector<16xf32>
        %xor3A_131 = arith.constant 2 : i32
        %xor3A_132 = vector.broadcast %xor3A_131 : i32 to vector<16xi32>
        %xor3A_133 = arith.xori %iota3A, %xor3A_132 : vector<16xi32>
        %lt3A_134 = arith.constant 0 : i32
        %lt3A_135 = vector.broadcast %lt3A_134 : i32 to vector<16xi32>
        %lt3A_136 = arith.cmpi slt, %xor3A_133, %lt3A_135 : vector<16xi32>
        %add3A_137 = arith.constant 16 : i32
        %add3A_138 = vector.broadcast %add3A_137 : i32 to vector<16xi32>
        %add3A_139 = arith.addi %xor3A_133, %add3A_138 : vector<16xi32>
        %select_n3A_140 = arith.select %lt3A_136, %add3A_139, %xor3A_133 : vector<16xi1>, vector<16xi32>
        %broadcast_in_dim3A_141 = vector.shape_cast %select_n3A_140 : vector<16xi32> to vector<16x1xi32>
        %gather3A_142 = vector.shape_cast %broadcast_in_dim3A_141 : vector<16x1xi32> to vector<16xi32>
        %gather3A_143 = tpu.dynamic_gather %max3A_130[%gather3A_142] in [0] : vector<16xf32>, vector<16xi32> -> vector<16xf32>
        %max3A_144 = arith.maximumf %max3A_130, %gather3A_143 : vector<16xf32>
        %xor3A_145 = arith.constant 1 : i32
        %xor3A_146 = vector.broadcast %xor3A_145 : i32 to vector<16xi32>
        %xor3A_147 = arith.xori %iota3A, %xor3A_146 : vector<16xi32>
        %lt3A_148 = arith.constant 0 : i32
        %lt3A_149 = vector.broadcast %lt3A_148 : i32 to vector<16xi32>
        %lt3A_150 = arith.cmpi slt, %xor3A_147, %lt3A_149 : vector<16xi32>
        %add3A_151 = arith.constant 16 : i32
        %add3A_152 = vector.broadcast %add3A_151 : i32 to vector<16xi32>
        %add3A_153 = arith.addi %xor3A_147, %add3A_152 : vector<16xi32>
        %select_n3A_154 = arith.select %lt3A_150, %add3A_153, %xor3A_147 : vector<16xi1>, vector<16xi32>
        %broadcast_in_dim3A_155 = vector.shape_cast %select_n3A_154 : vector<16xi32> to vector<16x1xi32>
        %gather3A_156 = vector.shape_cast %broadcast_in_dim3A_155 : vector<16x1xi32> to vector<16xi32>
        %gather3A_157 = tpu.dynamic_gather %max3A_144[%gather3A_156] in [0] : vector<16xf32>, vector<16xi32> -> vector<16xf32>
        %max3A_158 = arith.maximumf %max3A_144, %gather3A_157 : vector<16xf32>
        %eq3A_159 = arith.cmpf oeq, %select_n3A_104, %max3A_158 : vector<16xf32>
        %jit3A_160 = arith.constant 1073741824 : i32
        %broadcast_in_dim3A_161 = vector.broadcast %jit3A_160 : i32 to vector<16xi32>
        %select_n3A_162 = arith.select %eq3A_159, %select_n3A_105, %broadcast_in_dim3A_161 : vector<16xi1>, vector<16xi32>
        %xor3A_163 = arith.constant 8 : i32
        %xor3A_164 = vector.broadcast %xor3A_163 : i32 to vector<16xi32>
        %xor3A_165 = arith.xori %iota3A, %xor3A_164 : vector<16xi32>
        %lt3A_166 = arith.constant 0 : i32
        %lt3A_167 = vector.broadcast %lt3A_166 : i32 to vector<16xi32>
        %lt3A_168 = arith.cmpi slt, %xor3A_165, %lt3A_167 : vector<16xi32>
        %add3A_169 = arith.constant 16 : i32
        %add3A_170 = vector.broadcast %add3A_169 : i32 to vector<16xi32>
        %add3A_171 = arith.addi %xor3A_165, %add3A_170 : vector<16xi32>
        %select_n3A_172 = arith.select %lt3A_168, %add3A_171, %xor3A_165 : vector<16xi1>, vector<16xi32>
        %broadcast_in_dim3A_173 = vector.shape_cast %select_n3A_172 : vector<16xi32> to vector<16x1xi32>
        %gather3A_174 = vector.shape_cast %broadcast_in_dim3A_173 : vector<16x1xi32> to vector<16xi32>
        %gather3A_175 = tpu.dynamic_gather %select_n3A_162[%gather3A_174] in [0] : vector<16xi32>, vector<16xi32> -> vector<16xi32>
        %min3A = arith.minsi %select_n3A_162, %gather3A_175 : vector<16xi32>
        %xor3A_176 = arith.constant 4 : i32
        %xor3A_177 = vector.broadcast %xor3A_176 : i32 to vector<16xi32>
        %xor3A_178 = arith.xori %iota3A, %xor3A_177 : vector<16xi32>
        %lt3A_179 = arith.constant 0 : i32
        %lt3A_180 = vector.broadcast %lt3A_179 : i32 to vector<16xi32>
        %lt3A_181 = arith.cmpi slt, %xor3A_178, %lt3A_180 : vector<16xi32>
        %add3A_182 = arith.constant 16 : i32
        %add3A_183 = vector.broadcast %add3A_182 : i32 to vector<16xi32>
        %add3A_184 = arith.addi %xor3A_178, %add3A_183 : vector<16xi32>
        %select_n3A_185 = arith.select %lt3A_181, %add3A_184, %xor3A_178 : vector<16xi1>, vector<16xi32>
        %broadcast_in_dim3A_186 = vector.shape_cast %select_n3A_185 : vector<16xi32> to vector<16x1xi32>
        %gather3A_187 = vector.shape_cast %broadcast_in_dim3A_186 : vector<16x1xi32> to vector<16xi32>
        %gather3A_188 = tpu.dynamic_gather %min3A[%gather3A_187] in [0] : vector<16xi32>, vector<16xi32> -> vector<16xi32>
        %min3A_189 = arith.minsi %min3A, %gather3A_188 : vector<16xi32>
        %xor3A_190 = arith.constant 2 : i32
        %xor3A_191 = vector.broadcast %xor3A_190 : i32 to vector<16xi32>
        %xor3A_192 = arith.xori %iota3A, %xor3A_191 : vector<16xi32>
        %lt3A_193 = arith.constant 0 : i32
        %lt3A_194 = vector.broadcast %lt3A_193 : i32 to vector<16xi32>
        %lt3A_195 = arith.cmpi slt, %xor3A_192, %lt3A_194 : vector<16xi32>
        %add3A_196 = arith.constant 16 : i32
        %add3A_197 = vector.broadcast %add3A_196 : i32 to vector<16xi32>
        %add3A_198 = arith.addi %xor3A_192, %add3A_197 : vector<16xi32>
        %select_n3A_199 = arith.select %lt3A_195, %add3A_198, %xor3A_192 : vector<16xi1>, vector<16xi32>
        %broadcast_in_dim3A_200 = vector.shape_cast %select_n3A_199 : vector<16xi32> to vector<16x1xi32>
        %gather3A_201 = vector.shape_cast %broadcast_in_dim3A_200 : vector<16x1xi32> to vector<16xi32>
        %gather3A_202 = tpu.dynamic_gather %min3A_189[%gather3A_201] in [0] : vector<16xi32>, vector<16xi32> -> vector<16xi32>
        %min3A_203 = arith.minsi %min3A_189, %gather3A_202 : vector<16xi32>
        %xor3A_204 = arith.constant 1 : i32
        %xor3A_205 = vector.broadcast %xor3A_204 : i32 to vector<16xi32>
        %xor3A_206 = arith.xori %iota3A, %xor3A_205 : vector<16xi32>
        %lt3A_207 = arith.constant 0 : i32
        %lt3A_208 = vector.broadcast %lt3A_207 : i32 to vector<16xi32>
        %lt3A_209 = arith.cmpi slt, %xor3A_206, %lt3A_208 : vector<16xi32>
        %add3A_210 = arith.constant 16 : i32
        %add3A_211 = vector.broadcast %add3A_210 : i32 to vector<16xi32>
        %add3A_212 = arith.addi %xor3A_206, %add3A_211 : vector<16xi32>
        %select_n3A_213 = arith.select %lt3A_209, %add3A_212, %xor3A_206 : vector<16xi1>, vector<16xi32>
        %broadcast_in_dim3A_214 = vector.shape_cast %select_n3A_213 : vector<16xi32> to vector<16x1xi32>
        %gather3A_215 = vector.shape_cast %broadcast_in_dim3A_214 : vector<16x1xi32> to vector<16xi32>
        %gather3A_216 = tpu.dynamic_gather %min3A_203[%gather3A_215] in [0] : vector<16xi32>, vector<16xi32> -> vector<16xi32>
        %min3A_217 = arith.minsi %min3A_203, %gather3A_216 : vector<16xi32>
        %slice3A = vector.extract_strided_slice %min3A_217 {offsets = [0], sizes = [1], strides = [1]} : vector<16xi32> to vector<1xi32>
        %squeeze3A = vector.extract %slice3A[0] : i32 from vector<1xi32>
        %mul3A_218 = arith.constant 256 : i32
        %mul3A_219 = arith.muli %squeeze3A, %mul3A_218 : i32
        %broadcast_in_dim3A_220 = arith.constant 1073741824 : i32
        %broadcast_in_dim3A_221 = vector.broadcast %broadcast_in_dim3A_220 : i32 to vector<16xi32>
        %broadcast_in_dim3A_222 = arith.constant 1073741824 : i32
        %broadcast_in_dim3A_223 = vector.broadcast %broadcast_in_dim3A_222 : i32 to vector<16xi32>
        %add3A_224 = arith.constant 0 : i32
        %add3A_225 = arith.addi %mul3A_219, %add3A_224 : i32
        %get3A = arith.index_cast %add3A_90 : i32 to index
        %get3A_226 = arith.index_cast %add3A_225 : i32 to index
        %get3A_227 = tpu.vector_load %arg4[%get3A, %get3A_226] {strides = array<i32>} : memref<16x4096xf32, #tpu.memory_space<vmem>>, vector<1x16xf32>,
        %get3A_228 = vector.shape_cast %get3A_227 : vector<1x16xf32> to vector<16xf32>
        %add3A_229 = arith.constant 16 : i32
        %add3A_230 = arith.addi %mul3A_219, %add3A_229 : i32
        %get3A_231 = arith.index_cast %add3A_90 : i32 to index
        %get3A_232 = arith.index_cast %add3A_230 : i32 to index
        %get3A_233 = tpu.vector_load %arg4[%get3A_231, %get3A_232] {strides = array<i32>} : memref<16x4096xf32, #tpu.memory_space<vmem>>, vector<1x16xf32>,
        %get3A_234 = vector.shape_cast %get3A_233 : vector<1x16xf32> to vector<16xf32>
        %eq3A_235 = arith.cmpf oeq, %get3A_228, %max3A_158 : vector<16xf32>
        %add3A_236 = arith.constant 0 : i32
        %add3A_237 = vector.broadcast %add3A_236 : i32 to vector<16xi32>
        %add3A_238 = arith.addi %iota3A, %add3A_237 : vector<16xi32>
        %select_n3A_239 = arith.select %eq3A_235, %add3A_238, %broadcast_in_dim3A_221 : vector<16xi1>, vector<16xi32>
        %min3A_240 = arith.minsi %broadcast_in_dim3A_221, %select_n3A_239 : vector<16xi32>
        %eq3A_241 = arith.cmpf oeq, %get3A_234, %max3A_158 : vector<16xf32>
        %add3A_242 = arith.constant 16 : i32
        %add3A_243 = vector.broadcast %add3A_242 : i32 to vector<16xi32>
        %add3A_244 = arith.addi %iota3A, %add3A_243 : vector<16xi32>
        %select_n3A_245 = arith.select %eq3A_241, %add3A_244, %broadcast_in_dim3A_223 : vector<16xi1>, vector<16xi32>
        %min3A_246 = arith.minsi %broadcast_in_dim3A_223, %select_n3A_245 : vector<16xi32>
        %add3A_247 = arith.constant 32 : i32
        %add3A_248 = arith.addi %mul3A_219, %add3A_247 : i32
        %get3A_249 = arith.index_cast %add3A_90 : i32 to index
        %get3A_250 = arith.index_cast %add3A_248 : i32 to index
        %get3A_251 = tpu.vector_load %arg4[%get3A_249, %get3A_250] {strides = array<i32>} : memref<16x4096xf32, #tpu.memory_space<vmem>>, vector<1x16xf32>,
        %get3A_252 = vector.shape_cast %get3A_251 : vector<1x16xf32> to vector<16xf32>
        %add3A_253 = arith.constant 48 : i32
        %add3A_254 = arith.addi %mul3A_219, %add3A_253 : i32
        %get3A_255 = arith.index_cast %add3A_90 : i32 to index
        %get3A_256 = arith.index_cast %add3A_254 : i32 to index
        %get3A_257 = tpu.vector_load %arg4[%get3A_255, %get3A_256] {strides = array<i32>} : memref<16x4096xf32, #tpu.memory_space<vmem>>, vector<1x16xf32>,
        %get3A_258 = vector.shape_cast %get3A_257 : vector<1x16xf32> to vector<16xf32>
        %eq3A_259 = arith.cmpf oeq, %get3A_252, %max3A_158 : vector<16xf32>
        %add3A_260 = arith.constant 32 : i32
        %add3A_261 = vector.broadcast %add3A_260 : i32 to vector<16xi32>
        %add3A_262 = arith.addi %iota3A, %add3A_261 : vector<16xi32>
        %select_n3A_263 = arith.select %eq3A_259, %add3A_262, %min3A_240 : vector<16xi1>, vector<16xi32>
        %min3A_264 = arith.minsi %min3A_240, %select_n3A_263 : vector<16xi32>
        %eq3A_265 = arith.cmpf oeq, %get3A_258, %max3A_158 : vector<16xf32>
        %add3A_266 = arith.constant 48 : i32
        %add3A_267 = vector.broadcast %add3A_266 : i32 to vector<16xi32>
        %add3A_268 = arith.addi %iota3A, %add3A_267 : vector<16xi32>
        %select_n3A_269 = arith.select %eq3A_265, %add3A_268, %min3A_246 : vector<16xi1>, vector<16xi32>
        %min3A_270 = arith.minsi %min3A_246, %select_n3A_269 : vector<16xi32>
        %add3A_271 = arith.constant 64 : i32
        %add3A_272 = arith.addi %mul3A_219, %add3A_271 : i32
        %get3A_273 = arith.index_cast %add3A_90 : i32 to index
        %get3A_274 = arith.index_cast %add3A_272 : i32 to index
        %get3A_275 = tpu.vector_load %arg4[%get3A_273, %get3A_274] {strides = array<i32>} : memref<16x4096xf32, #tpu.memory_space<vmem>>, vector<1x16xf32>,
        %get3A_276 = vector.shape_cast %get3A_275 : vector<1x16xf32> to vector<16xf32>
        %add3A_277 = arith.constant 80 : i32
        %add3A_278 = arith.addi %mul3A_219, %add3A_277 : i32
        %get3A_279 = arith.index_cast %add3A_90 : i32 to index
        %get3A_280 = arith.index_cast %add3A_278 : i32 to index
        %get3A_281 = tpu.vector_load %arg4[%get3A_279, %get3A_280] {strides = array<i32>} : memref<16x4096xf32, #tpu.memory_space<vmem>>, vector<1x16xf32>,
        %get3A_282 = vector.shape_cast %get3A_281 : vector<1x16xf32> to vector<16xf32>
        %eq3A_283 = arith.cmpf oeq, %get3A_276, %max3A_158 : vector<16xf32>
        %add3A_284 = arith.constant 64 : i32
        %add3A_285 = vector.broadcast %add3A_284 : i32 to vector<16xi32>
        %add3A_286 = arith.addi %iota3A, %add3A_285 : vector<16xi32>
        %select_n3A_287 = arith.select %eq3A_283, %add3A_286, %min3A_264 : vector<16xi1>, vector<16xi32>
        %min3A_288 = arith.minsi %min3A_264, %select_n3A_287 : vector<16xi32>
        %eq3A_289 = arith.cmpf oeq, %get3A_282, %max3A_158 : vector<16xf32>
        %add3A_290 = arith.constant 80 : i32
        %add3A_291 = vector.broadcast %add3A_290 : i32 to vector<16xi32>
        %add3A_292 = arith.addi %iota3A, %add3A_291 : vector<16xi32>
        %select_n3A_293 = arith.select %eq3A_289, %add3A_292, %min3A_270 : vector<16xi1>, vector<16xi32>
        %min3A_294 = arith.minsi %min3A_270, %select_n3A_293 : vector<16xi32>
        %add3A_295 = arith.constant 96 : i32
        %add3A_296 = arith.addi %mul3A_219, %add3A_295 : i32
        %get3A_297 = arith.index_cast %add3A_90 : i32 to index
        %get3A_298 = arith.index_cast %add3A_296 : i32 to index
        %get3A_299 = tpu.vector_load %arg4[%get3A_297, %get3A_298] {strides = array<i32>} : memref<16x4096xf32, #tpu.memory_space<vmem>>, vector<1x16xf32>,
        %get3A_300 = vector.shape_cast %get3A_299 : vector<1x16xf32> to vector<16xf32>
        %add3A_301 = arith.constant 112 : i32
        %add3A_302 = arith.addi %mul3A_219, %add3A_301 : i32
        %get3A_303 = arith.index_cast %add3A_90 : i32 to index
        %get3A_304 = arith.index_cast %add3A_302 : i32 to index
        %get3A_305 = tpu.vector_load %arg4[%get3A_303, %get3A_304] {strides = array<i32>} : memref<16x4096xf32, #tpu.memory_space<vmem>>, vector<1x16xf32>,
        %get3A_306 = vector.shape_cast %get3A_305 : vector<1x16xf32> to vector<16xf32>
        %eq3A_307 = arith.cmpf oeq, %get3A_300, %max3A_158 : vector<16xf32>
        %add3A_308 = arith.constant 96 : i32
        %add3A_309 = vector.broadcast %add3A_308 : i32 to vector<16xi32>
        %add3A_310 = arith.addi %iota3A, %add3A_309 : vector<16xi32>
        %select_n3A_311 = arith.select %eq3A_307, %add3A_310, %min3A_288 : vector<16xi1>, vector<16xi32>
        %min3A_312 = arith.minsi %min3A_288, %select_n3A_311 : vector<16xi32>
        %eq3A_313 = arith.cmpf oeq, %get3A_306, %max3A_158 : vector<16xf32>
        %add3A_314 = arith.constant 112 : i32
        %add3A_315 = vector.broadcast %add3A_314 : i32 to vector<16xi32>
        %add3A_316 = arith.addi %iota3A, %add3A_315 : vector<16xi32>
        %select_n3A_317 = arith.select %eq3A_313, %add3A_316, %min3A_294 : vector<16xi1>, vector<16xi32>
        %min3A_318 = arith.minsi %min3A_294, %select_n3A_317 : vector<16xi32>
        %add3A_319 = arith.constant 128 : i32
        %add3A_320 = arith.addi %mul3A_219, %add3A_319 : i32
        %get3A_321 = arith.index_cast %add3A_90 : i32 to index
        %get3A_322 = arith.index_cast %add3A_320 : i32 to index
        %get3A_323 = tpu.vector_load %arg4[%get3A_321, %get3A_322] {strides = array<i32>} : memref<16x4096xf32, #tpu.memory_space<vmem>>, vector<1x16xf32>,
        %get3A_324 = vector.shape_cast %get3A_323 : vector<1x16xf32> to vector<16xf32>
        %add3A_325 = arith.constant 144 : i32
        %add3A_326 = arith.addi %mul3A_219, %add3A_325 : i32
        %get3A_327 = arith.index_cast %add3A_90 : i32 to index
        %get3A_328 = arith.index_cast %add3A_326 : i32 to index
        %get3A_329 = tpu.vector_load %arg4[%get3A_327, %get3A_328] {strides = array<i32>} : memref<16x4096xf32, #tpu.memory_space<vmem>>, vector<1x16xf32>,
        %get3A_330 = vector.shape_cast %get3A_329 : vector<1x16xf32> to vector<16xf32>
        %eq3A_331 = arith.cmpf oeq, %get3A_324, %max3A_158 : vector<16xf32>
        %add3A_332 = arith.constant 128 : i32
        %add3A_333 = vector.broadcast %add3A_332 : i32 to vector<16xi32>
        %add3A_334 = arith.addi %iota3A, %add3A_333 : vector<16xi32>
        %select_n3A_335 = arith.select %eq3A_331, %add3A_334, %min3A_312 : vector<16xi1>, vector<16xi32>
        %min3A_336 = arith.minsi %min3A_312, %select_n3A_335 : vector<16xi32>
        %eq3A_337 = arith.cmpf oeq, %get3A_330, %max3A_158 : vector<16xf32>
        %add3A_338 = arith.constant 144 : i32
        %add3A_339 = vector.broadcast %add3A_338 : i32 to vector<16xi32>
        %add3A_340 = arith.addi %iota3A, %add3A_339 : vector<16xi32>
        %select_n3A_341 = arith.select %eq3A_337, %add3A_340, %min3A_318 : vector<16xi1>, vector<16xi32>
        %min3A_342 = arith.minsi %min3A_318, %select_n3A_341 : vector<16xi32>
        %add3A_343 = arith.constant 160 : i32
        %add3A_344 = arith.addi %mul3A_219, %add3A_343 : i32
        %get3A_345 = arith.index_cast %add3A_90 : i32 to index
        %get3A_346 = arith.index_cast %add3A_344 : i32 to index
        %get3A_347 = tpu.vector_load %arg4[%get3A_345, %get3A_346] {strides = array<i32>} : memref<16x4096xf32, #tpu.memory_space<vmem>>, vector<1x16xf32>,
        %get3A_348 = vector.shape_cast %get3A_347 : vector<1x16xf32> to vector<16xf32>
        %add3A_349 = arith.constant 176 : i32
        %add3A_350 = arith.addi %mul3A_219, %add3A_349 : i32
        %get3A_351 = arith.index_cast %add3A_90 : i32 to index
        %get3A_352 = arith.index_cast %add3A_350 : i32 to index
        %get3A_353 = tpu.vector_load %arg4[%get3A_351, %get3A_352] {strides = array<i32>} : memref<16x4096xf32, #tpu.memory_space<vmem>>, vector<1x16xf32>,
        %get3A_354 = vector.shape_cast %get3A_353 : vector<1x16xf32> to vector<16xf32>
        %eq3A_355 = arith.cmpf oeq, %get3A_348, %max3A_158 : vector<16xf32>
        %add3A_356 = arith.constant 160 : i32
        %add3A_357 = vector.broadcast %add3A_356 : i32 to vector<16xi32>
        %add3A_358 = arith.addi %iota3A, %add3A_357 : vector<16xi32>
        %select_n3A_359 = arith.select %eq3A_355, %add3A_358, %min3A_336 : vector<16xi1>, vector<16xi32>
        %min3A_360 = arith.minsi %min3A_336, %select_n3A_359 : vector<16xi32>
        %eq3A_361 = arith.cmpf oeq, %get3A_354, %max3A_158 : vector<16xf32>
        %add3A_362 = arith.constant 176 : i32
        %add3A_363 = vector.broadcast %add3A_362 : i32 to vector<16xi32>
        %add3A_364 = arith.addi %iota3A, %add3A_363 : vector<16xi32>
        %select_n3A_365 = arith.select %eq3A_361, %add3A_364, %min3A_342 : vector<16xi1>, vector<16xi32>
        %min3A_366 = arith.minsi %min3A_342, %select_n3A_365 : vector<16xi32>
        %add3A_367 = arith.constant 192 : i32
        %add3A_368 = arith.addi %mul3A_219, %add3A_367 : i32
        %get3A_369 = arith.index_cast %add3A_90 : i32 to index
        %get3A_370 = arith.index_cast %add3A_368 : i32 to index
        %get3A_371 = tpu.vector_load %arg4[%get3A_369, %get3A_370] {strides = array<i32>} : memref<16x4096xf32, #tpu.memory_space<vmem>>, vector<1x16xf32>,
        %get3A_372 = vector.shape_cast %get3A_371 : vector<1x16xf32> to vector<16xf32>
        %add3A_373 = arith.constant 208 : i32
        %add3A_374 = arith.addi %mul3A_219, %add3A_373 : i32
        %get3A_375 = arith.index_cast %add3A_90 : i32 to index
        %get3A_376 = arith.index_cast %add3A_374 : i32 to index
        %get3A_377 = tpu.vector_load %arg4[%get3A_375, %get3A_376] {strides = array<i32>} : memref<16x4096xf32, #tpu.memory_space<vmem>>, vector<1x16xf32>,
        %get3A_378 = vector.shape_cast %get3A_377 : vector<1x16xf32> to vector<16xf32>
        %eq3A_379 = arith.cmpf oeq, %get3A_372, %max3A_158 : vector<16xf32>
        %add3A_380 = arith.constant 192 : i32
        %add3A_381 = vector.broadcast %add3A_380 : i32 to vector<16xi32>
        %add3A_382 = arith.addi %iota3A, %add3A_381 : vector<16xi32>
        %select_n3A_383 = arith.select %eq3A_379, %add3A_382, %min3A_360 : vector<16xi1>, vector<16xi32>
        %min3A_384 = arith.minsi %min3A_360, %select_n3A_383 : vector<16xi32>
        %eq3A_385 = arith.cmpf oeq, %get3A_378, %max3A_158 : vector<16xf32>
        %add3A_386 = arith.constant 208 : i32
        %add3A_387 = vector.broadcast %add3A_386 : i32 to vector<16xi32>
        %add3A_388 = arith.addi %iota3A, %add3A_387 : vector<16xi32>
        %select_n3A_389 = arith.select %eq3A_385, %add3A_388, %min3A_366 : vector<16xi1>, vector<16xi32>
        %min3A_390 = arith.minsi %min3A_366, %select_n3A_389 : vector<16xi32>
        %add3A_391 = arith.constant 224 : i32
        %add3A_392 = arith.addi %mul3A_219, %add3A_391 : i32
        %get3A_393 = arith.index_cast %add3A_90 : i32 to index
        %get3A_394 = arith.index_cast %add3A_392 : i32 to index
        %get3A_395 = tpu.vector_load %arg4[%get3A_393, %get3A_394] {strides = array<i32>} : memref<16x4096xf32, #tpu.memory_space<vmem>>, vector<1x16xf32>,
        %get3A_396 = vector.shape_cast %get3A_395 : vector<1x16xf32> to vector<16xf32>
        %add3A_397 = arith.constant 240 : i32
        %add3A_398 = arith.addi %mul3A_219, %add3A_397 : i32
        %get3A_399 = arith.index_cast %add3A_90 : i32 to index
        %get3A_400 = arith.index_cast %add3A_398 : i32 to index
        %get3A_401 = tpu.vector_load %arg4[%get3A_399, %get3A_400] {strides = array<i32>} : memref<16x4096xf32, #tpu.memory_space<vmem>>, vector<1x16xf32>,
        %get3A_402 = vector.shape_cast %get3A_401 : vector<1x16xf32> to vector<16xf32>
        %eq3A_403 = arith.cmpf oeq, %get3A_396, %max3A_158 : vector<16xf32>
        %add3A_404 = arith.constant 224 : i32
        %add3A_405 = vector.broadcast %add3A_404 : i32 to vector<16xi32>
        %add3A_406 = arith.addi %iota3A, %add3A_405 : vector<16xi32>
        %select_n3A_407 = arith.select %eq3A_403, %add3A_406, %min3A_384 : vector<16xi1>, vector<16xi32>
        %min3A_408 = arith.minsi %min3A_384, %select_n3A_407 : vector<16xi32>
        %eq3A_409 = arith.cmpf oeq, %get3A_402, %max3A_158 : vector<16xf32>
        %add3A_410 = arith.constant 240 : i32
        %add3A_411 = vector.broadcast %add3A_410 : i32 to vector<16xi32>
        %add3A_412 = arith.addi %iota3A, %add3A_411 : vector<16xi32>
        %select_n3A_413 = arith.select %eq3A_409, %add3A_412, %min3A_390 : vector<16xi1>, vector<16xi32>
        %min3A_414 = arith.minsi %min3A_390, %select_n3A_413 : vector<16xi32>
        %min3A_415 = arith.minsi %min3A_408, %min3A_414 : vector<16xi32>
        %xor3A_416 = arith.constant 8 : i32
        %xor3A_417 = vector.broadcast %xor3A_416 : i32 to vector<16xi32>
        %xor3A_418 = arith.xori %iota3A, %xor3A_417 : vector<16xi32>
        %lt3A_419 = arith.constant 0 : i32
        %lt3A_420 = vector.broadcast %lt3A_419 : i32 to vector<16xi32>
        %lt3A_421 = arith.cmpi slt, %xor3A_418, %lt3A_420 : vector<16xi32>
        %add3A_422 = arith.constant 16 : i32
        %add3A_423 = vector.broadcast %add3A_422 : i32 to vector<16xi32>
        %add3A_424 = arith.addi %xor3A_418, %add3A_423 : vector<16xi32>
        %select_n3A_425 = arith.select %lt3A_421, %add3A_424, %xor3A_418 : vector<16xi1>, vector<16xi32>
        %broadcast_in_dim3A_426 = vector.shape_cast %select_n3A_425 : vector<16xi32> to vector<16x1xi32>
        %gather3A_427 = vector.shape_cast %broadcast_in_dim3A_426 : vector<16x1xi32> to vector<16xi32>
        %gather3A_428 = tpu.dynamic_gather %min3A_415[%gather3A_427] in [0] : vector<16xi32>, vector<16xi32> -> vector<16xi32>
        %min3A_429 = arith.minsi %min3A_415, %gather3A_428 : vector<16xi32>
        %xor3A_430 = arith.constant 4 : i32
        %xor3A_431 = vector.broadcast %xor3A_430 : i32 to vector<16xi32>
        %xor3A_432 = arith.xori %iota3A, %xor3A_431 : vector<16xi32>
        %lt3A_433 = arith.constant 0 : i32
        %lt3A_434 = vector.broadcast %lt3A_433 : i32 to vector<16xi32>
        %lt3A_435 = arith.cmpi slt, %xor3A_432, %lt3A_434 : vector<16xi32>
        %add3A_436 = arith.constant 16 : i32
        %add3A_437 = vector.broadcast %add3A_436 : i32 to vector<16xi32>
        %add3A_438 = arith.addi %xor3A_432, %add3A_437 : vector<16xi32>
        %select_n3A_439 = arith.select %lt3A_435, %add3A_438, %xor3A_432 : vector<16xi1>, vector<16xi32>
        %broadcast_in_dim3A_440 = vector.shape_cast %select_n3A_439 : vector<16xi32> to vector<16x1xi32>
        %gather3A_441 = vector.shape_cast %broadcast_in_dim3A_440 : vector<16x1xi32> to vector<16xi32>
        %gather3A_442 = tpu.dynamic_gather %min3A_429[%gather3A_441] in [0] : vector<16xi32>, vector<16xi32> -> vector<16xi32>
        %min3A_443 = arith.minsi %min3A_429, %gather3A_442 : vector<16xi32>
        %xor3A_444 = arith.constant 2 : i32
        %xor3A_445 = vector.broadcast %xor3A_444 : i32 to vector<16xi32>
        %xor3A_446 = arith.xori %iota3A, %xor3A_445 : vector<16xi32>
        %lt3A_447 = arith.constant 0 : i32
        %lt3A_448 = vector.broadcast %lt3A_447 : i32 to vector<16xi32>
        %lt3A_449 = arith.cmpi slt, %xor3A_446, %lt3A_448 : vector<16xi32>
        %add3A_450 = arith.constant 16 : i32
        %add3A_451 = vector.broadcast %add3A_450 : i32 to vector<16xi32>
        %add3A_452 = arith.addi %xor3A_446, %add3A_451 : vector<16xi32>
        %select_n3A_453 = arith.select %lt3A_449, %add3A_452, %xor3A_446 : vector<16xi1>, vector<16xi32>
        %broadcast_in_dim3A_454 = vector.shape_cast %select_n3A_453 : vector<16xi32> to vector<16x1xi32>
        %gather3A_455 = vector.shape_cast %broadcast_in_dim3A_454 : vector<16x1xi32> to vector<16xi32>
        %gather3A_456 = tpu.dynamic_gather %min3A_443[%gather3A_455] in [0] : vector<16xi32>, vector<16xi32> -> vector<16xi32>
        %min3A_457 = arith.minsi %min3A_443, %gather3A_456 : vector<16xi32>
        %xor3A_458 = arith.constant 1 : i32
        %xor3A_459 = vector.broadcast %xor3A_458 : i32 to vector<16xi32>
        %xor3A_460 = arith.xori %iota3A, %xor3A_459 : vector<16xi32>
        %lt3A_461 = arith.constant 0 : i32
        %lt3A_462 = vector.broadcast %lt3A_461 : i32 to vector<16xi32>
        %lt3A_463 = arith.cmpi slt, %xor3A_460, %lt3A_462 : vector<16xi32>
        %add3A_464 = arith.constant 16 : i32
        %add3A_465 = vector.broadcast %add3A_464 : i32 to vector<16xi32>
        %add3A_466 = arith.addi %xor3A_460, %add3A_465 : vector<16xi32>
        %select_n3A_467 = arith.select %lt3A_463, %add3A_466, %xor3A_460 : vector<16xi1>, vector<16xi32>
        %broadcast_in_dim3A_468 = vector.shape_cast %select_n3A_467 : vector<16xi32> to vector<16x1xi32>
        %gather3A_469 = vector.shape_cast %broadcast_in_dim3A_468 : vector<16x1xi32> to vector<16xi32>
        %gather3A_470 = tpu.dynamic_gather %min3A_457[%gather3A_469] in [0] : vector<16xi32>, vector<16xi32> -> vector<16xi32>
        %min3A_471 = arith.minsi %min3A_457, %gather3A_470 : vector<16xi32>
        %broadcast_in_dim3A_472 = vector.broadcast %mul3A_219 : i32 to vector<16xi32>
        %add3A_473 = arith.addi %min3A_471, %broadcast_in_dim3A_472 : vector<16xi32>
        %lt3A_474 = arith.constant 64 : i32
        %lt3A_475 = vector.broadcast %lt3A_474 : i32 to vector<16xi32>
        %lt3A_476 = arith.cmpi slt, %add3A_473, %lt3A_475 : vector<16xi32>
        %gt3A_477 = arith.constant 0 : i32
        %gt3A_478 = vector.broadcast %gt3A_477 : i32 to vector<16xi32>
        %gt3A_479 = arith.cmpi sgt, %add3A_473, %gt3A_478 : vector<16xi32>
        %and3A_480 = arith.constant 63 : i32
        %and3A_481 = vector.broadcast %and3A_480 : i32 to vector<16xi32>
        %and3A_482 = arith.andi %add3A_473, %and3A_481 : vector<16xi32>
        %eq3A_483 = arith.constant 0 : i32
        %eq3A_484 = vector.broadcast %eq3A_483 : i32 to vector<16xi32>
        %eq3A_485 = arith.cmpi eq, %and3A_482, %eq3A_484 : vector<16xi32>
        %and3A_486 = arith.andi %gt3A_479, %eq3A_485 : vector<16xi1>
        %jit3A_487 = arith.constant 1.000000e+00 : f32
        %jit3A_488 = arith.constant 5.000000e-01 : f32
        %broadcast_in_dim3A_489 = vector.broadcast %jit3A_487 : f32 to vector<16xf32>
        %broadcast_in_dim3A_490 = vector.broadcast %jit3A_488 : f32 to vector<16xf32>
        %select_n3A_491 = arith.select %and3A_486, %broadcast_in_dim3A_489, %broadcast_in_dim3A_490 : vector<16xi1>, vector<16xf32>
        %jit3A_492 = arith.constant 0.000000e+00 : f32
        %broadcast_in_dim3A_493 = vector.broadcast %jit3A_492 : f32 to vector<16xf32>
        %select_n3A_494 = arith.select %lt3A_476, %broadcast_in_dim3A_493, %select_n3A_491 : vector<16xi1>, vector<16xf32>
        %jit3A_495 = arith.constant 0.000000e+00 : f32
        %jit3A_496 = arith.constant 5.000000e-01 : f32
        %broadcast_in_dim3A_497 = vector.broadcast %jit3A_495 : f32 to vector<16xf32>
        %broadcast_in_dim3A_498 = vector.broadcast %jit3A_496 : f32 to vector<16xf32>
        %select_n3A_499 = arith.select %and3A_486, %broadcast_in_dim3A_497, %broadcast_in_dim3A_498 : vector<16xi1>, vector<16xf32>
        %jit3A_500 = arith.constant 1.000000e+00 : f32
        %broadcast_in_dim3A_501 = vector.broadcast %jit3A_500 : f32 to vector<16xf32>
        %select_n3A_502 = arith.select %lt3A_476, %broadcast_in_dim3A_501, %select_n3A_499 : vector<16xi1>, vector<16xf32>
        %eq3A_503 = vector.broadcast %add3A_90 : i32 to vector<16xi32>
        %eq3A_504 = arith.cmpi eq, %iota3A, %eq3A_503 : vector<16xi32>
        %select_n3A_505 = arith.select %eq3A_504, %select_n3A_494, %scan3A_88 : vector<16xi1>, vector<16xf32>
        %select_n3A_506 = arith.select %eq3A_504, %select_n3A_502, %scan3A_89 : vector<16xi1>, vector<16xf32>
        scf.yield %select_n3A_505, %select_n3A_506 : vector<16xf32>, vector<16xf32>
      }
      %scan3A_64 = arith.constant 8 : i32
      %add3A_65 = arith.constant 2 : i32
      %add3A_66 = arith.addi %scan3A_41, %add3A_65 : i32
      %lt3A = arith.constant 6 : i32
      %lt3A_67 = arith.cmpi slt, %add3A_66, %lt3A : i32
      %and3A_68 = arith.andi %eq3A_45, %lt3A_67 : i1
      %convert_element_type3A_69 = arith.extui %and3A_68 : i1 to i32
      %cond3A_70 = arith.constant 0 : i32
      %cond3A_71 = arith.cmpi ne, %convert_element_type3A_69, %cond3A_70 : i32
      scf.if %cond3A_71 {
        %add3A_87 = arith.constant 2 : i32
        %add3A_88 = arith.addi %scan3A_41, %add3A_87 : i32
        %mul3A_89 = arith.constant 8 : i32
        %mul3A_90 = arith.muli %add3A_88, %mul3A_89 : i32
        %add3A_91 = arith.addi %mul3A_2, %mul3A_90 : i32
        %dma_start3A_92 = arith.constant 0 : i32
        %dma_start3A_93 = arith.constant 0 : i32
        %dma_start3A_94 = tpu.memref_slice %arg4[%dma_start3A_92, %dma_start3A_93] : memref<16x4096xf32, #tpu.memory_space<vmem>> -> memref<8x4096xf32, #tpu.memory_space<vmem>>
        %dma_start3A_95 = arith.constant 0 : i32
        %dma_start3A_96 = tpu.memref_slice %arg2[%add3A_91, %dma_start3A_95] : memref<4096x4096xf32, #tpu.memory_space<hbm>> -> memref<8x4096xf32, #tpu.memory_space<hbm>>
        %dma_start3A_97 = arith.constant 0 : i32
        %dma_start3A_98 = arith.constant 0 : i32
        %dma_start3A_99 = tpu.memref_slice %arg4[%dma_start3A_97, %dma_start3A_98] : memref<16x4096xf32, #tpu.memory_space<vmem>> -> memref<8x4096xf32, #tpu.memory_space<vmem>>
        %dma_start3A_100 = arith.constant 0 : i32
        %dma_start3A_101 = tpu.memref_slice %arg2[%add3A_91, %dma_start3A_100] : memref<4096x4096xf32, #tpu.memory_space<hbm>> -> memref<8x4096xf32, #tpu.memory_space<hbm>>
        tpu.enqueue_dma source(%dma_start3A_101 : memref<8x4096xf32, #tpu.memory_space<hbm>>) target(%dma_start3A_99 : memref<8x4096xf32, #tpu.memory_space<vmem>>) target_semaphore(%arg6 : memref<!tpu.dma_semaphore, #tpu.memory_space<semaphore_mem>>)
      } else {
      }
      %not3A_72 = arith.constant true
      %not3A_73 = arith.xori %eq3A_45, %not3A_72 : i1
      %add3A_74 = arith.constant 2 : i32
      %add3A_75 = arith.addi %scan3A_41, %add3A_74 : i32
      %lt3A_76 = arith.constant 6 : i32
      %lt3A_77 = arith.cmpi slt, %add3A_75, %lt3A_76 : i32
      %and3A_78 = arith.andi %not3A_73, %lt3A_77 : i1
      %convert_element_type3A_79 = arith.extui %and3A_78 : i1 to i32
      %cond3A_80 = arith.constant 0 : i32
      %cond3A_81 = arith.cmpi ne, %convert_element_type3A_79, %cond3A_80 : i32
      scf.if %cond3A_81 {
        %add3A_87 = arith.constant 2 : i32
        %add3A_88 = arith.addi %scan3A_41, %add3A_87 : i32
        %mul3A_89 = arith.constant 8 : i32
        %mul3A_90 = arith.muli %add3A_88, %mul3A_89 : i32
        %add3A_91 = arith.addi %mul3A_2, %mul3A_90 : i32
        %dma_start3A_92 = arith.constant 8 : i32
        %dma_start3A_93 = arith.constant 0 : i32
        %dma_start3A_94 = tpu.memref_slice %arg4[%dma_start3A_92, %dma_start3A_93] : memref<16x4096xf32, #tpu.memory_space<vmem>> -> memref<8x4096xf32, #tpu.memory_space<vmem>>
        %dma_start3A_95 = arith.constant 0 : i32
        %dma_start3A_96 = tpu.memref_slice %arg2[%add3A_91, %dma_start3A_95] : memref<4096x4096xf32, #tpu.memory_space<hbm>> -> memref<8x4096xf32, #tpu.memory_space<hbm>>
        %dma_start3A_97 = arith.constant 8 : i32
        %dma_start3A_98 = arith.constant 0 : i32
        %dma_start3A_99 = tpu.memref_slice %arg4[%dma_start3A_97, %dma_start3A_98] : memref<16x4096xf32, #tpu.memory_space<vmem>> -> memref<8x4096xf32, #tpu.memory_space<vmem>>
        %dma_start3A_100 = arith.constant 0 : i32
        %dma_start3A_101 = tpu.memref_slice %arg2[%add3A_91, %dma_start3A_100] : memref<4096x4096xf32, #tpu.memory_space<hbm>> -> memref<8x4096xf32, #tpu.memory_space<hbm>>
        tpu.enqueue_dma source(%dma_start3A_101 : memref<8x4096xf32, #tpu.memory_space<hbm>>) target(%dma_start3A_99 : memref<8x4096xf32, #tpu.memory_space<vmem>>) target_semaphore(%arg7 : memref<!tpu.dma_semaphore, #tpu.memory_space<semaphore_mem>>)
      } else {
      }
      %not3A_82 = arith.constant true
      %not3A_83 = arith.xori %eq3A_45, %not3A_82 : i1
      %convert_element_type3A_84 = arith.extui %not3A_83 : i1 to i32
      %cond3A_85 = arith.constant 0 : i32
      %cond3A_86 = arith.cmpi ne, %convert_element_type3A_84, %cond3A_85 : i32
      scf.if %cond3A_86 {
        %add3A_87 = arith.constant 0 : i32
        %add3A_88 = vector.broadcast %add3A_87 : i32 to vector<16xi32>
        %add3A_89 = arith.addi %iota3A, %add3A_88 : vector<16xi32>
        %mul3A_90 = arith.constant 21846 : i32
        %mul3A_91 = vector.broadcast %mul3A_90 : i32 to vector<16xi32>
        %mul3A_92 = arith.muli %add3A_89, %mul3A_91 : vector<16xi32>
        %shift_right_arithmetic3A = arith.constant 16 : i32
        %shift_right_arithmetic3A_93 = vector.broadcast %shift_right_arithmetic3A : i32 to vector<16xi32>
        %shift_right_arithmetic3A_94 = arith.shrsi %mul3A_92, %shift_right_arithmetic3A_93 : vector<16xi32>
        %mul3A_95 = arith.constant 3 : i32
        %mul3A_96 = vector.broadcast %mul3A_95 : i32 to vector<16xi32>
        %mul3A_97 = arith.muli %shift_right_arithmetic3A_94, %mul3A_96 : vector<16xi32>
        %sub3A = arith.subi %add3A_89, %mul3A_97 : vector<16xi32>
        %lt3A_98 = arith.constant 0 : i32
        %lt3A_99 = vector.broadcast %lt3A_98 : i32 to vector<16xi32>
        %lt3A_100 = arith.cmpi slt, %shift_right_arithmetic3A_94, %lt3A_99 : vector<16xi32>
        %add3A_101 = arith.constant 16 : i32
        %add3A_102 = vector.broadcast %add3A_101 : i32 to vector<16xi32>
        %add3A_103 = arith.addi %shift_right_arithmetic3A_94, %add3A_102 : vector<16xi32>
        %select_n3A_104 = arith.select %lt3A_100, %add3A_103, %shift_right_arithmetic3A_94 : vector<16xi1>, vector<16xi32>
        %broadcast_in_dim3A_105 = vector.shape_cast %select_n3A_104 : vector<16xi32> to vector<16x1xi32>
        %gather3A = vector.shape_cast %broadcast_in_dim3A_105 : vector<16x1xi32> to vector<16xi32>
        %gather3A_106 = tpu.dynamic_gather %scan3A_63#0[%gather3A] in [0] : vector<16xf32>, vector<16xi32> -> vector<16xf32>
        %lt3A_107 = arith.constant 0 : i32
        %lt3A_108 = vector.broadcast %lt3A_107 : i32 to vector<16xi32>
        %lt3A_109 = arith.cmpi slt, %shift_right_arithmetic3A_94, %lt3A_108 : vector<16xi32>
        %add3A_110 = arith.constant 16 : i32
        %add3A_111 = vector.broadcast %add3A_110 : i32 to vector<16xi32>
        %add3A_112 = arith.addi %shift_right_arithmetic3A_94, %add3A_111 : vector<16xi32>
        %select_n3A_113 = arith.select %lt3A_109, %add3A_112, %shift_right_arithmetic3A_94 : vector<16xi1>, vector<16xi32>
        %broadcast_in_dim3A_114 = vector.shape_cast %select_n3A_113 : vector<16xi32> to vector<16x1xi32>
        %gather3A_115 = vector.shape_cast %broadcast_in_dim3A_114 : vector<16x1xi32> to vector<16xi32>
        %gather3A_116 = tpu.dynamic_gather %scan3A_63#1[%gather3A_115] in [0] : vector<16xf32>, vector<16xi32> -> vector<16xf32>
        %eq3A_117 = arith.constant 0 : i32
        %eq3A_118 = vector.broadcast %eq3A_117 : i32 to vector<16xi32>
        %eq3A_119 = arith.cmpi eq, %sub3A, %eq3A_118 : vector<16xi32>
        %eq3A_120 = arith.constant 1 : i32
        %eq3A_121 = vector.broadcast %eq3A_120 : i32 to vector<16xi32>
        %eq3A_122 = arith.cmpi eq, %sub3A, %eq3A_121 : vector<16xi32>
        %jit3A_123 = arith.constant 0.000000e+00 : f32
        %broadcast_in_dim3A_124 = vector.broadcast %jit3A_123 : f32 to vector<16xf32>
        %select_n3A_125 = arith.select %eq3A_122, %gather3A_116, %broadcast_in_dim3A_124 : vector<16xi1>, vector<16xf32>
        %select_n3A_126 = arith.select %eq3A_119, %gather3A_106, %select_n3A_125 : vector<16xi1>, vector<16xf32>
        %shift_right_arithmetic3A_127 = arith.constant 1 : i32
        %shift_right_arithmetic3A_128 = arith.shrsi %scan3A_41, %shift_right_arithmetic3A_127 : i32
        %mul3A_129 = arith.constant 48 : i32
        %mul3A_130 = arith.muli %shift_right_arithmetic3A_128, %mul3A_129 : i32
        %add3A_131 = arith.constant 0 : i32
        %add3A_132 = arith.addi %mul3A_130, %add3A_131 : i32
        %swap3A = arith.index_cast %add3A_132 : i32 to index
        %swap3A_133 = tpu.vector_load %arg5[%swap3A] {strides = array<i32>} : memref<144xf32, #tpu.memory_space<vmem>>, vector<16xf32>,
        %swap3A_134 = vector.shape_cast %swap3A_133 : vector<16xf32> to vector<16xf32>
        %swap3A_135 = vector.shape_cast %select_n3A_126 : vector<16xf32> to vector<16xf32>
        tpu.vector_store %arg5[%swap3A], %swap3A_135 {strides = array<i32>} : memref<144xf32, #tpu.memory_space<vmem>>, vector<16xf32>,
        %add3A_136 = arith.constant 16 : i32
        %add3A_137 = vector.broadcast %add3A_136 : i32 to vector<16xi32>
        %add3A_138 = arith.addi %iota3A, %add3A_137 : vector<16xi32>
        %mul3A_139 = arith.constant 21846 : i32
        %mul3A_140 = vector.broadcast %mul3A_139 : i32 to vector<16xi32>
        %mul3A_141 = arith.muli %add3A_138, %mul3A_140 : vector<16xi32>
        %shift_right_arithmetic3A_142 = arith.constant 16 : i32
        %shift_right_arithmetic3A_143 = vector.broadcast %shift_right_arithmetic3A_142 : i32 to vector<16xi32>
        %shift_right_arithmetic3A_144 = arith.shrsi %mul3A_141, %shift_right_arithmetic3A_143 : vector<16xi32>
        %mul3A_145 = arith.constant 3 : i32
        %mul3A_146 = vector.broadcast %mul3A_145 : i32 to vector<16xi32>
        %mul3A_147 = arith.muli %shift_right_arithmetic3A_144, %mul3A_146 : vector<16xi32>
        %sub3A_148 = arith.subi %add3A_138, %mul3A_147 : vector<16xi32>
        %lt3A_149 = arith.constant 0 : i32
        %lt3A_150 = vector.broadcast %lt3A_149 : i32 to vector<16xi32>
        %lt3A_151 = arith.cmpi slt, %shift_right_arithmetic3A_144, %lt3A_150 : vector<16xi32>
        %add3A_152 = arith.constant 16 : i32
        %add3A_153 = vector.broadcast %add3A_152 : i32 to vector<16xi32>
        %add3A_154 = arith.addi %shift_right_arithmetic3A_144, %add3A_153 : vector<16xi32>
        %select_n3A_155 = arith.select %lt3A_151, %add3A_154, %shift_right_arithmetic3A_144 : vector<16xi1>, vector<16xi32>
        %broadcast_in_dim3A_156 = vector.shape_cast %select_n3A_155 : vector<16xi32> to vector<16x1xi32>
        %gather3A_157 = vector.shape_cast %broadcast_in_dim3A_156 : vector<16x1xi32> to vector<16xi32>
        %gather3A_158 = tpu.dynamic_gather %scan3A_63#0[%gather3A_157] in [0] : vector<16xf32>, vector<16xi32> -> vector<16xf32>
        %lt3A_159 = arith.constant 0 : i32
        %lt3A_160 = vector.broadcast %lt3A_159 : i32 to vector<16xi32>
        %lt3A_161 = arith.cmpi slt, %shift_right_arithmetic3A_144, %lt3A_160 : vector<16xi32>
        %add3A_162 = arith.constant 16 : i32
        %add3A_163 = vector.broadcast %add3A_162 : i32 to vector<16xi32>
        %add3A_164 = arith.addi %shift_right_arithmetic3A_144, %add3A_163 : vector<16xi32>
        %select_n3A_165 = arith.select %lt3A_161, %add3A_164, %shift_right_arithmetic3A_144 : vector<16xi1>, vector<16xi32>
        %broadcast_in_dim3A_166 = vector.shape_cast %select_n3A_165 : vector<16xi32> to vector<16x1xi32>
        %gather3A_167 = vector.shape_cast %broadcast_in_dim3A_166 : vector<16x1xi32> to vector<16xi32>
        %gather3A_168 = tpu.dynamic_gather %scan3A_63#1[%gather3A_167] in [0] : vector<16xf32>, vector<16xi32> -> vector<16xf32>
        %eq3A_169 = arith.constant 0 : i32
        %eq3A_170 = vector.broadcast %eq3A_169 : i32 to vector<16xi32>
        %eq3A_171 = arith.cmpi eq, %sub3A_148, %eq3A_170 : vector<16xi32>
        %eq3A_172 = arith.constant 1 : i32
        %eq3A_173 = vector.broadcast %eq3A_172 : i32 to vector<16xi32>
        %eq3A_174 = arith.cmpi eq, %sub3A_148, %eq3A_173 : vector<16xi32>
        %jit3A_175 = arith.constant 0.000000e+00 : f32
        %broadcast_in_dim3A_176 = vector.broadcast %jit3A_175 : f32 to vector<16xf32>
        %select_n3A_177 = arith.select %eq3A_174, %gather3A_168, %broadcast_in_dim3A_176 : vector<16xi1>, vector<16xf32>
        %select_n3A_178 = arith.select %eq3A_171, %gather3A_158, %select_n3A_177 : vector<16xi1>, vector<16xf32>
        %shift_right_arithmetic3A_179 = arith.constant 1 : i32
        %shift_right_arithmetic3A_180 = arith.shrsi %scan3A_41, %shift_right_arithmetic3A_179 : i32
        %mul3A_181 = arith.constant 48 : i32
        %mul3A_182 = arith.muli %shift_right_arithmetic3A_180, %mul3A_181 : i32
        %add3A_183 = arith.constant 16 : i32
        %add3A_184 = arith.addi %mul3A_182, %add3A_183 : i32
        %swap3A_185 = arith.index_cast %add3A_184 : i32 to index
        %swap3A_186 = tpu.vector_load %arg5[%swap3A_185] {strides = array<i32>} : memref<144xf32, #tpu.memory_space<vmem>>, vector<16xf32>,
        %swap3A_187 = vector.shape_cast %swap3A_186 : vector<16xf32> to vector<16xf32>
        %swap3A_188 = vector.shape_cast %select_n3A_178 : vector<16xf32> to vector<16xf32>
        tpu.vector_store %arg5[%swap3A_185], %swap3A_188 {strides = array<i32>} : memref<144xf32, #tpu.memory_space<vmem>>, vector<16xf32>,
        %add3A_189 = arith.constant 32 : i32
        %add3A_190 = vector.broadcast %add3A_189 : i32 to vector<16xi32>
        %add3A_191 = arith.addi %iota3A, %add3A_190 : vector<16xi32>
        %mul3A_192 = arith.constant 21846 : i32
        %mul3A_193 = vector.broadcast %mul3A_192 : i32 to vector<16xi32>
        %mul3A_194 = arith.muli %add3A_191, %mul3A_193 : vector<16xi32>
        %shift_right_arithmetic3A_195 = arith.constant 16 : i32
        %shift_right_arithmetic3A_196 = vector.broadcast %shift_right_arithmetic3A_195 : i32 to vector<16xi32>
        %shift_right_arithmetic3A_197 = arith.shrsi %mul3A_194, %shift_right_arithmetic3A_196 : vector<16xi32>
        %mul3A_198 = arith.constant 3 : i32
        %mul3A_199 = vector.broadcast %mul3A_198 : i32 to vector<16xi32>
        %mul3A_200 = arith.muli %shift_right_arithmetic3A_197, %mul3A_199 : vector<16xi32>
        %sub3A_201 = arith.subi %add3A_191, %mul3A_200 : vector<16xi32>
        %lt3A_202 = arith.constant 0 : i32
        %lt3A_203 = vector.broadcast %lt3A_202 : i32 to vector<16xi32>
        %lt3A_204 = arith.cmpi slt, %shift_right_arithmetic3A_197, %lt3A_203 : vector<16xi32>
        %add3A_205 = arith.constant 16 : i32
        %add3A_206 = vector.broadcast %add3A_205 : i32 to vector<16xi32>
        %add3A_207 = arith.addi %shift_right_arithmetic3A_197, %add3A_206 : vector<16xi32>
        %select_n3A_208 = arith.select %lt3A_204, %add3A_207, %shift_right_arithmetic3A_197 : vector<16xi1>, vector<16xi32>
        %broadcast_in_dim3A_209 = vector.shape_cast %select_n3A_208 : vector<16xi32> to vector<16x1xi32>
        %gather3A_210 = vector.shape_cast %broadcast_in_dim3A_209 : vector<16x1xi32> to vector<16xi32>
        %gather3A_211 = tpu.dynamic_gather %scan3A_63#0[%gather3A_210] in [0] : vector<16xf32>, vector<16xi32> -> vector<16xf32>
        %lt3A_212 = arith.constant 0 : i32
        %lt3A_213 = vector.broadcast %lt3A_212 : i32 to vector<16xi32>
        %lt3A_214 = arith.cmpi slt, %shift_right_arithmetic3A_197, %lt3A_213 : vector<16xi32>
        %add3A_215 = arith.constant 16 : i32
        %add3A_216 = vector.broadcast %add3A_215 : i32 to vector<16xi32>
        %add3A_217 = arith.addi %shift_right_arithmetic3A_197, %add3A_216 : vector<16xi32>
        %select_n3A_218 = arith.select %lt3A_214, %add3A_217, %shift_right_arithmetic3A_197 : vector<16xi1>, vector<16xi32>
        %broadcast_in_dim3A_219 = vector.shape_cast %select_n3A_218 : vector<16xi32> to vector<16x1xi32>
        %gather3A_220 = vector.shape_cast %broadcast_in_dim3A_219 : vector<16x1xi32> to vector<16xi32>
        %gather3A_221 = tpu.dynamic_gather %scan3A_63#1[%gather3A_220] in [0] : vector<16xf32>, vector<16xi32> -> vector<16xf32>
        %eq3A_222 = arith.constant 0 : i32
        %eq3A_223 = vector.broadcast %eq3A_222 : i32 to vector<16xi32>
        %eq3A_224 = arith.cmpi eq, %sub3A_201, %eq3A_223 : vector<16xi32>
        %eq3A_225 = arith.constant 1 : i32
        %eq3A_226 = vector.broadcast %eq3A_225 : i32 to vector<16xi32>
        %eq3A_227 = arith.cmpi eq, %sub3A_201, %eq3A_226 : vector<16xi32>
        %jit3A_228 = arith.constant 0.000000e+00 : f32
        %broadcast_in_dim3A_229 = vector.broadcast %jit3A_228 : f32 to vector<16xf32>
        %select_n3A_230 = arith.select %eq3A_227, %gather3A_221, %broadcast_in_dim3A_229 : vector<16xi1>, vector<16xf32>
        %select_n3A_231 = arith.select %eq3A_224, %gather3A_211, %select_n3A_230 : vector<16xi1>, vector<16xf32>
        %shift_right_arithmetic3A_232 = arith.constant 1 : i32
        %shift_right_arithmetic3A_233 = arith.shrsi %scan3A_41, %shift_right_arithmetic3A_232 : i32
        %mul3A_234 = arith.constant 48 : i32
        %mul3A_235 = arith.muli %shift_right_arithmetic3A_233, %mul3A_234 : i32
        %add3A_236 = arith.constant 32 : i32
        %add3A_237 = arith.addi %mul3A_235, %add3A_236 : i32
        %swap3A_238 = arith.index_cast %add3A_237 : i32 to index
        %swap3A_239 = tpu.vector_load %arg5[%swap3A_238] {strides = array<i32>} : memref<144xf32, #tpu.memory_space<vmem>>, vector<16xf32>,
        %swap3A_240 = vector.shape_cast %swap3A_239 : vector<16xf32> to vector<16xf32>
        %swap3A_241 = vector.shape_cast %select_n3A_231 : vector<16xf32> to vector<16xf32>
        tpu.vector_store %arg5[%swap3A_238], %swap3A_241 {strides = array<i32>} : memref<144xf32, #tpu.memory_space<vmem>>, vector<16xf32>,
      } else {
      }
      scf.yield %scan3A_63#0, %scan3A_63#1 : vector<16xf32>, vector<16xf32>
    }
    %scan3A_33 = arith.constant 6 : i32
    %mul3A_34 = arith.constant 3 : i32
    %mul3A_35 = arith.muli %mul3A_2, %mul3A_34 : i32
    %dma_start3A_36 = tpu.memref_slice %arg3[%mul3A_35] : memref<4608xf32, #tpu.memory_space<hbm>> -> memref<144xf32, #tpu.memory_space<hbm>>
    %dma_start3A_37 = tpu.memref_slice %arg3[%mul3A_35] : memref<4608xf32, #tpu.memory_space<hbm>> -> memref<144xf32, #tpu.memory_space<hbm>>
    tpu.enqueue_dma source(%arg5 : memref<144xf32, #tpu.memory_space<vmem>>) target(%dma_start3A_37 : memref<144xf32, #tpu.memory_space<hbm>>) target_semaphore(%arg8 : memref<!tpu.dma_semaphore, #tpu.memory_space<semaphore_mem>>)
    %mul3A_38 = arith.constant 3 : i32
    %mul3A_39 = arith.muli %mul3A_2, %mul3A_38 : i32
    %dma_wait3A = tpu.memref_slice %arg3[%mul3A_39] : memref<4608xf32, #tpu.memory_space<hbm>> -> memref<144xf32, #tpu.memory_space<hbm>>
    %dma_wait3A_40 = tpu.memref_slice %arg3[%mul3A_39] : memref<4608xf32, #tpu.memory_space<hbm>> -> memref<144xf32, #tpu.memory_space<hbm>>
    tpu.wait_dma2 semaphore(%arg8 : memref<!tpu.dma_semaphore, #tpu.memory_space<semaphore_mem>>) src(%arg5 : memref<144xf32, #tpu.memory_space<vmem>>) dst(%dma_wait3A_40 : memref<144xf32, #tpu.memory_space<hbm>>)
    return
  }
}

module attributes {stable_mosaic.version = 14 : i64} {
  func.func @_tc_body(%arg0: i32, %arg1: memref<512x4096xf32, #tpu.memory_space<vmem>>, %arg2: memref<512x3xf32, #tpu.memory_space<vmem>>) attributes {dimension_semantics = [#tpu.dimension_semantics<arbitrary>], iteration_bounds = array<i64: 5>, scalar_prefetch = 0 : i64, scratch_operands = 0 : i64, tpu.core_type = #tpu.core_type<tc>, window_params = [{transform_indices = @transform_0, window_bounds = array<i64: 512, 4096>}, {transform_indices = @transform_1, window_bounds = array<i64: 512, 3>}]} {
    %get3A = arith.constant 0 : index
    %get3A_0 = arith.constant 0 : index
    %get3A_1 = vector.load %arg1[%get3A, %get3A_0] : memref<512x4096xf32, #tpu.memory_space<vmem>>, vector<512x4096xf32>
    %argmax3A = tpu.reduce_index %get3A_1 {axis = 1 : i32, kind = #tpu.reduction_kind<arg_max>} : vector<512x4096xf32> -> vector<512xi32>
    %lt3A = arith.constant 64 : i32
    %lt3A_2 = vector.broadcast %lt3A : i32 to vector<512xi32>
    %lt3A_3 = arith.cmpi slt, %argmax3A, %lt3A_2 : vector<512xi32>
    %gt3A = arith.constant 0 : i32
    %gt3A_4 = vector.broadcast %gt3A : i32 to vector<512xi32>
    %gt3A_5 = arith.cmpi sgt, %argmax3A, %gt3A_4 : vector<512xi32>
    %and3A = arith.constant 63 : i32
    %and3A_6 = vector.broadcast %and3A : i32 to vector<512xi32>
    %and3A_7 = arith.andi %argmax3A, %and3A_6 : vector<512xi32>
    %eq3A = arith.constant 0 : i32
    %eq3A_8 = vector.broadcast %eq3A : i32 to vector<512xi32>
    %eq3A_9 = arith.cmpi eq, %and3A_7, %eq3A_8 : vector<512xi32>
    %and3A_10 = arith.andi %gt3A_5, %eq3A_9 : vector<512xi1>
    %jit3A = arith.constant 1.000000e+00 : f32
    %jit3A_11 = arith.constant 5.000000e-01 : f32
    %broadcast_in_dim3A = vector.broadcast %jit3A : f32 to vector<512xf32>
    %broadcast_in_dim3A_12 = vector.broadcast %jit3A_11 : f32 to vector<512xf32>
    %select_n3A = arith.select %and3A_10, %broadcast_in_dim3A, %broadcast_in_dim3A_12 : vector<512xi1>, vector<512xf32>
    %jit3A_13 = arith.constant 0.000000e+00 : f32
    %broadcast_in_dim3A_14 = vector.broadcast %jit3A_13 : f32 to vector<512xf32>
    %select_n3A_15 = arith.select %lt3A_3, %broadcast_in_dim3A_14, %select_n3A : vector<512xi1>, vector<512xf32>
    %jit3A_16 = arith.constant 0.000000e+00 : f32
    %jit3A_17 = arith.constant 5.000000e-01 : f32
    %broadcast_in_dim3A_18 = vector.broadcast %jit3A_16 : f32 to vector<512xf32>
    %broadcast_in_dim3A_19 = vector.broadcast %jit3A_17 : f32 to vector<512xf32>
    %select_n3A_20 = arith.select %and3A_10, %broadcast_in_dim3A_18, %broadcast_in_dim3A_19 : vector<512xi1>, vector<512xf32>
    %jit3A_21 = arith.constant 1.000000e+00 : f32
    %broadcast_in_dim3A_22 = vector.broadcast %jit3A_21 : f32 to vector<512xf32>
    %select_n3A_23 = arith.select %lt3A_3, %broadcast_in_dim3A_22, %select_n3A_20 : vector<512xi1>, vector<512xf32>
    %broadcast_in_dim3A_24 = arith.constant 0.000000e+00 : f32
    %broadcast_in_dim3A_25 = vector.broadcast %broadcast_in_dim3A_24 : f32 to vector<512xf32>
    %stack3A = vector.shape_cast %select_n3A_15 : vector<512xf32> to vector<512x1xf32>
    %stack3A_26 = vector.shape_cast %select_n3A_23 : vector<512xf32> to vector<512x1xf32>
    %stack3A_27 = vector.shape_cast %broadcast_in_dim3A_25 : vector<512xf32> to vector<512x1xf32>
    %stack3A_28 = tpu.concatenate %stack3A, %stack3A_26, %stack3A_27 in 1 : vector<512x1xf32>, vector<512x1xf32>, vector<512x1xf32> -> vector<512x3xf32>
    %swap3A = arith.constant 0 : index
    %swap3A_29 = arith.constant 0 : index
    %swap3A_30 = vector.load %arg2[%swap3A, %swap3A_29] : memref<512x3xf32, #tpu.memory_space<vmem>>, vector<512x3xf32>
    tpu.vector_store %arg2[%swap3A, %swap3A_29], %stack3A_28 {strides = array<i32>} : memref<512x3xf32, #tpu.memory_space<vmem>>, vector<512x3xf32>,
    return
  }
  func.func @transform_0(%arg0: i32) -> (i32, i32) {
    %add3A = arith.constant 3 : i32
    %add3A_0 = arith.addi %arg0, %add3A : i32
    %c0_i32 = arith.constant 0 : i32
    %c0_i32_1 = arith.constant 0 : i32
    return %add3A_0, %c0_i32 : i32, i32
  }
  func.func @transform_1(%arg0: i32) -> (i32, i32) {
    %c0_i32 = arith.constant 0 : i32
    %c0_i32_0 = arith.constant 0 : i32
    return %arg0, %c0_i32 : i32, i32
  }
}

</mosaic_0001>

<sc_bundles>
// kernel: kernel.4.cloned.1.call-start
scs
__scs_entry_jumppad:
0x0: {  	(pc) =	sbr.rel $0x88, $3  }
0x1: {  	(tag) =	ssettag $0x0;
	lr =	simm.s32 $0x1  }
0x2: {  	[smem:$0x3FA0] =	sst lr;
	_ =	strace $0xD0000000  }
0x3: {  	_ = 	snop  }
0x4: {  	_ = 	snop  }
0x5: {  	_ = 	snop  }
0x6: {  	_ = 	snop  }
0x7: {  	_ = 	snop  }
__scs_overlays_trampoline_lowered:
0x8: {  	[smem:$0x3FAF] =	sst s0  }
0x9: {  	[smem:$0x3FB0] =	sst s1  }
0xa: {  	[smem:$0x3FB1] =	sst s2  }
0xb: {  	[smem:$0x3FB2] =	sst s3  }
0xc: {  	[smem:$0x3FB3] =	sst s4  }
0xd: {  	[smem:$0x3FB4] =	sst s5  }
0xe: {  	[smem:$0x3FB5] =	sst s6  }
0xf: {  	[smem:$0x3FB6] =	sst s7  }
0x10: {  	[smem:$0x3FB7] =	sst s8  }
0x11: {  	[smem:$0x3FB8] =	sst s9;
	s0 =	simm.s32 @!p0 $0x0  }
0x12: {  	s1 =	sld [smem:$0x3F9E];
	s0 =	simm.s32 @p0 $0x1  }
0x13: {  	[smem:$0x3FB9] =	sst s0;
	s0 =	simm.s32 @!p1 $0x0  }
0x14: {  	s2 =	sld [smem:$0x3F9D];
	s0 =	simm.s32 @p1 $0x1  }
0x15: {  	[smem:$0x3FBA] =	sst s0;
	s0 =	simm.s32 @!p2 $0x0  }
0x16: {  	s3 =	sld [smem:$0x3FDB];
	s0 =	simm.s32 @p2 $0x1  }
0x17: {  	s4 =	simm.s32 $0x1BF5;
	[smem:$0x3FBC] =	sst s0  }
0x18: {  	s0 =	sld [smem:$0x3F9F];
	_ =	swait.ge [sflag:s4], $0x0  }
0x19: {  	s7 =	sld [smem:$0x3FA0]  }
0x1a: {  	s8 =	sadd.s32 $0xFFFFE003, lr  }
0x1b: {  	s9 =	sadd.s32 $0xFFFFFEF7, lr;
	s5 =	simm.s32 $0xFFFFFFFF;
	p2 =	slt.u32 s8, $0xFFFFF086  }
0x1c: {  	p1 =	slt.u32 s9, $0xF7A;
	s5 =	simm.s32 @!p2 $0x0  }
0x1d: {  	s5 =	simm.s32 @p1 $0x1;
	p0 =	seq.s32 s7, s2  }
0x1e: {  	s7 =	smul.u32 @!p0 $0xF7A, s2;
	p2 =	seq.s32 @!p0 s5, $0x0  }
0x1f: {  	s9 =	smul.u32 $0xF7A, s1;
	s8 =	simm.s32 @!p0 $0x1BF5;
	p2 =	por !p2, p0  }
0x20: {  	[sflag:s8] =	ssyncset.s32 @!p0 $0xFFFFF086;
	s6 =	sadd.s32 @!p0 s3, s7;
	s7 =	simm.s32 @!p0 $0x108  }
0x21: {  	s3 =	sadd.s32 s3, s9;
	s6 =	sadd.s32 @!p0 $0x88, s6;
	s7 =	simm.s32 @p2 $0x1082  }
0x22: {  	[simem:s7], [sflag:s8] =	dma.local @!p0 [hbm:s6], $0xF7A  }
0x23: {  	s9 =	sor.u32 $0xD0000000, s2;
	s6 =	simm.s32 $0x108;
	_ =	swait.ge @!p0 [sflag:s8], $0x0  }
0x24: {  	s3 =	sadd.s32 $0x88, s3;
	s6 =	simm.s32 @!p1 $0x1082;
	[sflag:s4] =	ssyncset.s32 $0xFFFFF086  }
0x25: {  	[simem:s6], [sflag:s4] =	dma.local [hbm:s3], $0xF7A  }
0x26: {  	[smem:$0x3FA0] =	sst s1;
	(tag) =	ssettag s2;
	_ =	strace s9  }
0x27: {  	s1 =	sld [smem:$0x3FB0]  }
0x28: {  	s2 =	sld [smem:$0x3FB1]  }
0x29: {  	s4 =	sld [smem:$0x3FB3]  }
0x2a: {  	p0 =	seq.s32 s5, $0x0;
	s5 =	sld [smem:$0x3FB4]  }
0x2b: {  	s6 =	sld [smem:$0x3FB5]  }
0x2c: {  	s7 =	sld [smem:$0x3FB6]  }
0x2d: {  	s3 =	simm.s32 $0x108;
	s8 =	sld [smem:$0x3FB7]  }
0x2e: {  	s3 =	simm.s32 @!p0 $0x1082;
	s9 =	sld [smem:$0x3FB8]  }
0x2f: {  	lr =	sadd.s32 s0, s3;
	s0 =	sld [smem:$0x3FAF]  }
0x30: {  	s3 =	sld [smem:$0x3FB2]  }
0x31: {  	[smem:$0x3FBB] =	sst s10  }
0x32: {  	s10 =	sld [smem:$0x3FB9];
	_ =	sdelay $0x3  }
0x33: {  	p0 =	seq.s32 s10, $0x1;
	s10 =	sld [smem:$0x3FBB];
	_ =	sdelay $0x3  }
0x34: {  	[smem:$0x3FBB] =	sst s10  }
0x35: {  	s10 =	sld [smem:$0x3FBA];
	_ =	sdelay $0x3  }
0x36: {  	p1 =	seq.s32 s10, $0x1;
	s10 =	sld [smem:$0x3FBB];
	_ =	sdelay $0x3  }
0x37: {  	[smem:$0x3FBB] =	sst s10  }
0x38: {  	s10 =	sld [smem:$0x3FBC]  }
0x39: {  	_ = 	snop;
	(pc) =	sbr.ind lr, $3  }
0x3a: {  	_ = 	snop  }
0x3b: {  	_ = 	snop  }
0x3c: {  	p2 =	seq.s32 s10, $0x1;
	s10 =	sld [smem:$0x3FBB]  }
0x3d: {  	_ =	shalt  }
0x3e: {  	_ =	shalt  }
0x3f: {  	_ =	shalt  }
0x40: {  	_ =	shalt  }
0x41: {  	_ =	shalt  }
0x42: {  	_ =	shalt  }
0x43: {  	_ =	shalt  }
0x44: {  	_ =	shalt  }
0x45: {  	_ =	shalt  }
0x46: {  	_ =	shalt  }
0x47: {  	_ =	shalt  }
0x48: {  	_ =	shalt  }
0x49: {  	_ =	shalt  }
0x4a: {  	_ =	shalt  }
0x4b: {  	_ =	shalt  }
0x4c: {  	_ =	shalt  }
0x4d: {  	_ =	shalt  }
0x4e: {  	_ =	shalt  }
0x4f: {  	_ =	shalt  }
0x50: {  	_ =	shalt  }
0x51: {  	_ =	shalt  }
0x52: {  	_ =	shalt  }
0x53: {  	_ =	shalt  }
0x54: {  	_ =	shalt  }
0x55: {  	_ =	shalt  }
0x56: {  	_ =	shalt  }
0x57: {  	_ =	shalt  }
0x58: {  	_ =	shalt  }
0x59: {  	_ =	shalt  }
0x5a: {  	_ =	shalt  }
0x5b: {  	_ =	shalt  }
0x5c: {  	_ =	shalt  }
0x5d: {  	_ =	shalt  }
0x5e: {  	_ =	shalt  }
0x5f: {  	_ =	shalt  }
0x60: {  	_ =	shalt  }
0x61: {  	_ =	shalt  }
0x62: {  	_ =	shalt  }
0x63: {  	_ =	shalt  }
0x64: {  	_ =	shalt  }
0x65: {  	_ =	shalt  }
0x66: {  	_ =	shalt  }
0x67: {  	_ =	shalt  }
0x68: {  	_ =	shalt  }
0x69: {  	_ =	shalt  }
0x6a: {  	_ =	shalt  }
0x6b: {  	_ =	shalt  }
0x6c: {  	_ =	shalt  }
0x6d: {  	_ =	shalt  }
0x6e: {  	_ =	shalt  }
0x6f: {  	_ =	shalt  }
0x70: {  	_ =	shalt  }
0x71: {  	_ =	shalt  }
0x72: {  	_ =	shalt  }
0x73: {  	_ =	shalt  }
0x74: {  	_ =	shalt  }
0x75: {  	_ =	shalt  }
0x76: {  	_ =	shalt  }
0x77: {  	_ =	shalt  }
0x78: {  	_ =	shalt  }
0x79: {  	_ =	shalt  }
0x7a: {  	_ =	shalt  }
0x7b: {  	_ =	shalt  }
0x7c: {  	_ =	shalt  }
0x7d: {  	_ =	shalt  }
0x7e: {  	_ =	shalt  }
0x7f: {  	_ =	shalt  }
0x80: {  	_ =	shalt  }
0x81: {  	_ =	shalt  }
0x82: {  	_ =	shalt  }
0x83: {  	_ =	shalt  }
0x84: {  	_ =	shalt  }
0x85: {  	_ =	shalt  }
0x86: {  	_ =	shalt  }
0x87: {  	_ =	shalt  }
.Lfunc_end0:
.L_simem_size_0:
called_computation_lowered:
.L_overlay_start_0:
0x88: {  	s2 =	sld [smem:$0x3FD9]  }
0x89: {  	s3 =	sld [smem:$0x3FFE];
	_ =	sdelay $0x1  }
0x8a: {  	s1 =	srdreg.scid  }
0x8b: {  	s0 =	sand.u32 $0x1, s1  }
0x8c: {  	s18 =	sshll.u32 s0, $0xA;
	s2 =	sadd.s32 s3, s2  }
0x8d: {  	s2 =	sadd.s32 s2, s18  }
0x8e: {  	[smem:$0x3FC7] =	sst s2  }
0x8f: {  	_ = 	snop  }
0x90: {  	s2 =	sld [smem:$0x3FC9]  }
0x91: {  	s19 =	sld [smem:$0x3FD0];
	(tm) =	ssettm $0x1  }
0x92: {  	s4 =	sld [smem:$0x3FFB];
	_ =	sdelay $0x3  }
0x93: {  	_ =	strace s4  }
0x94: {  	s4 =	sld [smem:$0x3FFC];
	_ =	sdelay $0x3  }
0x95: {  	_ =	strace s4  }
0x96: {  	s4 =	sld [smem:$0x3FFD];
	_ =	sdelay $0x3  }
0x97: {  	_ =	strace s4  }
0x98: {  	_ =	strace $0x8FFFFFFF  }
0x99: {  	s20 =	sld [smem:$0x3FDB];
	_ =	sdelay $0x1  }
0x9a: {  	s5 =	simm.s32 $_scs_section_size  }
0x9b: {  	s6 =	simm.s32 $_size__tile_overlayer_lowered;
	s7 =	simm.s32 $_tile_overlayer_lowered  }
0x9c: {  	s23 =	simm.s32 $0x1BFF;
	s22 =	sshll.u32 s7, $0x1;
	s4 =	sadd.s32 s5, s20  }
0x9d: {  	s8 =	simm.s32 $0x0;
	s21 =	sshll.u32 s6, $0x1;
	s6 =	sadd.s32 s22, s4  }
0x9e: {  	[timem:s8], [sflag:s23] =	dma.local [hbm:s6], s21  }
0x9f: {  	_ =	swait.ge [sflag:s23], s21  }
0xa0: {  	s5 =	ssub.s32 $0x0, s21;
	[sflag:s23] =	ssyncset.done $0x0  }
0xa1: {  	[sflag:s23] =	ssyncadd.s32 s5;
	_ =	sdelay $0x1  }
0xa2: {  	s24 =	simm.s32 $0x1B8B  }
0xa3: {  	_ =	swait.ge [sflag:s24], $0x1  }
0xa4: {  	[sflag:s24] =	ssyncset.done $0x0  }
0xa5: {  	s25 =	simm.s32 $0x1B8E;
	[sflag:s24] =	ssyncadd.s32 $0xFFFFFFFF  }
0xa6: {  	s26 =	simm.s32 $execute0_lowered;
	[smem:$0x3FD2] =	sst s25  }
0xa7: {  	s5 =	sshll.u32 s26, $0x1;
	_ =	strace $0x80000046;
	[dreg:$0x1] =	wrdreg $0xFFFFFFFF  }
0xa8: {  	s28 =	simm.s32 $_size_execute0_lowered;
	s4 =	sadd.s32 s4, s5;
	[dreg:$0x0] =	wrdreg $0x0  }
0xa9: {  	s5 =	sshll.u32 s28, $0x1;
	[dreg:$0x2] =	wrdreg s4  }
0xaa: {  	[dreg:$0x3] =	wrdreg s5  }
0xab: {  	[dreg:$0x4] =	wrdreg $0xC0  }
0xac: {  	_ =	task [dreg:s8], $0x5FFFF  }
0xad: {  	[dreg:$0x1] =	wrdreg $0xFFFFFFFF  }
0xae: {  	[dreg:$0x0] =	wrdreg $0x60  }
0xaf: {  	[dreg:$0x2] =	wrdreg s2  }
0xb0: {  	[dreg:$0x3] =	wrdreg s19  }
0xb1: {  	[dreg:$0x4] =	wrdreg $0x9  }
0xb2: {  	_ =	task.clear_ibuf [dreg:s8], $0x5FFFF;
	_ =	strace $0x90000046  }
0xb3: {  	s29 =	simm.s32 $0x9;
	_ =	strace $0x80000048  }
0xb4: {  	_ =	swait.ge [sflag:s29], $0x1  }
0xb5: {  	[sflag:s29] =	ssyncadd.s32 $0xFFFFFFFF  }
0xb6: {  	_ =	strace $0x90000048  }
0xb7: {  	_ =	sfence  }
0xb8: {  	s30 =	sld [smem:$0x0];
	_ =	sdelay $0x2  }
0xb9: {  	s31 =	sshll.u32 s1, $0xD;
	s1 =	sshrl.u32 s1, $0x2  }
0xba: {  	s3 =	sand.u32 $0x4000, s31;
	s1 =	sadd.s32 s1, s30  }
0xbb: {  	s0 =	sor.u32 s3, s0;
	s1 =	sshll.u32 s1, $0x11  }
0xbc: {  	s0 =	sor.u32 s1, s0  }
0xbd: {  	s0 =	sadd.s32 $0x8F2B, s0  }
0xbe: {  	[sflag:s0] =	ssyncadd.remote.s32 $0x1  }
0xbf: {  	_ =	sfence.sel $0xFFFF  }
0xc0: {  	[dreg:$0x0] =	wrdreg $0xFFFFFFFF;
	(pc) =	sbr.abs _section_cstart, $3  }
0xc1: {  	[dreg:$0x1] =	wrdreg $0xFFFFFFFF  }
0xc2: {  	_ =	task.clear_ibuf [dreg:s8], $0x2FFFF;
	_ =	strace $0x9FFFFFFF  }
0xc3: {  	(tm) =	ssettm $0x7FFFFFFF  }
tec
execute0_lowered:
.L_overlay_start_1:
0x0: {  	(tag) =	ssettag $0x1  }
0x1: {  	v0 =	vimm.s32 $0x76543210;
	v1 =	vimm.s32 $0xBA98FEDC  }
0x2: {  	v2 =	vimm.s32 $0xFEDCBA98;
	v3 =	vimm.s32 $0x32107654;
	v4 =	vimm.s32 $0xDCFE98BA  }
0x3: {  	v5 =	vimm.s32 $0x54761032;
	v6 =	vimm.s32 $0xEFCDAB89;
	v7 =	vimm.s32 $0x67452301  }
0x4: {  	vm0 =	vcmask $0x2F00;
	vm1 =	vcmask $0xB08;
	v22 =	vimm.s32 $0x77766655  }
0x5: {  	vm2 =	vcmask $0x33C;
	vm3 =	vcmask $0x3B38;
	v23 =	vimm.s32 $0x0  }
0x6: {  	v24 =	vimm.s32 $0xDCCCBBBA;
	vm4 =	vcmask $0x130C;
	vm5 =	vcmask $0x73C  }
0x7: {  	vm6 =	vcmask $0x338;
	vm15 =	vcmask $0x3730;
	v0 =	vunpack.c.l.s4.s8 v0  }
0x8: {  	v1 =	vunpack.c.l.s4.s8 v1;
	v2 =	vunpack.c.l.s4.s8 v2;
	v3 =	vunpack.c.l.s4.s8 v3  }
0x9: {  	v4 =	vunpack.c.l.s4.s8 v4;
	v5 =	vunpack.c.l.s4.s8 v5;
	v6 =	vunpack.c.l.s4.s8 v6  }
0xa: {  	v7 =	vunpack.c.l.s4.s8 v7;
	v1 =	vunpack.c.0.s8.s32 v1;
	v3 =	vunpack.c.0.s8.s32 v3  }
0xb: {  	v22 =	vunpack.c.l.s4.s8 v22;
	v4 =	vunpack.c.0.s8.s32 v4;
	v5 =	vunpack.c.0.s8.s32 v5  }
0xc: {  	v1 =	vcombine.low v3, v1;
	v3 =	vunpack.c.0.s8.s32 v6;
	v6 =	vunpack.c.0.s8.s32 v7  }
0xd: {  	v24 =	vunpack.c.l.s4.s8 v24;
	vm4 =	vmor vm5, vm4;
	vm5 =	vcmask $0x1F18  }
0xe: {  	v4 =	vcombine.low v5, v4;
	v5 =	vcombine.low v6, v3;
	v6 =	vimm.s32 $0xFEA540  }
0xf: {  	vm4 =	vmor vm4, vm5;
	v2 =	vunpack.c.0.s8.s32 v2;
	v11 =	vunpack.c.l.s2.s4 v6  }
0x10: {  	v0 =	vunpack.c.0.s8.s32 v0;
	v22 =	vunpack.c.0.s8.s32 v22;
	v24 =	vunpack.c.0.s8.s32 v24  }
0x11: {  	vm5 =	vcmask $0x3330;
	v2 =	vand.u32 $0xF, v2;
	v16 =	vunpack.c.l.s4.s8 v11  }
0x12: {  	v22 =	vand.u32 $0xF, v22;
	v24 =	vand.u32 $0xF, v24;
	v0 =	vcombine.low v2, v0  }
0x13: {  	v1 =	vand.u32 $0xF, v1;
	v3 =	vlaneseq.u32;
	v20 =	vunpack.c.0.s8.s32 v16  }
0x14: {  	v2 =	vand.u32 $0xF, v4;
	v6 =	vor.u32 $0x20, v3;
	v7 =	vor.u32 $0x30, v3  }
0x15: {  	v8 =	vor.u32 $0x40, v3;
	v9 =	vor.u32 $0x50, v3;
	v21 =	vand.u32 $0x3, v20  }
0x16: {  	v10 =	vor.u32 $0x60, v3;
	v21 =	vnsel vm0, $0x5, v21;
	vm0 =	vcmask $0x3B30  }
0x17: {  	v12 =	vor.u32 $0x80, v3;
	v21 =	vsel vm0, $0x4, v21;
	vm0 =	vcmask $0x1714  }
0x18: {  	v13 =	vor.u32 $0x90, v3;
	vm0 =	vmor vm1, vm0;
	vm1 =	vcmask $0x2320  }
0x19: {  	v14 =	vor.u32 $0xA0, v3;
	vm0 =	vmor vm0, vm1;
	vm1 =	vcmask $0x2F2C  }
0x1a: {  	v15 =	vor.u32 $0xB0, v3;
	v17 =	vor.u32 $0xD0, v3;
	vm0 =	vmor vm0, vm1  }
0x1b: {  	v18 =	vor.u32 $0xE0, v3;
	vm1 =	vcmask $0xF0C;
	vm0 =	vmor vm0, vm3  }
0x1c: {  	vm1 =	vmor vm2, vm1;
	vm2 =	vcmask $0x1B18;
	v23 =	vsel vm0, $0xFFFFFFFF, v23  }
0x1d: {  	vm1 =	vmor vm1, vm2;
	vm2 =	vcmask $0x2724;
	[tilespmem:$0x1FFF0] =	vst v23;
	v23 =	vimm.s32 $0x9080808  }
0x1e: {  	vm1 =	vmor vm1, vm2;
	vm2 =	vcmask $0x1F00;
	v23 =	vunpack.c.0.s8.s32 v23  }
0x1f: {  	s0 =	rddreg [dreg:$0x0];
	s2 =	srdreg.scid;
	v19 =	vor.u32 $0xF0, v3;
	vm3 =	vcmask $0x2F20;
	v22 =	vnsel vm2, $0xA, v22  }
0x20: {  	s1 =	stileid.u32;
	s7 =	rddreg [dreg:$0x1];
	v4 =	vand.u32 $0xF, v5;
	v22 =	vsel vm3, v23, v22;
	v23 =	vimm.s32 $0xE0E0D0D  }
0x21: {  	s3 =	simm.s32 $0x0;
	s4 =	sand.u32 $0x1, s2;
	s5 =	sshll.u32 s1, $0x1;
	v5 =	vor.u32 $0x10, v3;
	v11 =	vor.u32 $0x70, v3;
	v23 =	vunpack.c.0.s8.s32 v23  }
0x22: {  	s11 =	simm.s32 $0x3;
	s12 =	simm.s32 $0x0;
	s6 =	sor.u32 s4, s5;
	v16 =	vor.u32 $0xC0, v3;
	v20 =	vimm.f32 $5.000000000e-01;
	v24 =	vnsel vm2, $0xF, v24  }
0x23: {  	s2 =	rddreg [dreg:$0x2];
	s8 =	ssub.s32 $0x2, s4;
	s5 =	smul.u32 $0x6000, s6;
	vm2 =	vcmask $0x2B24;
	v23 =	vsel vm3, v23, v24;
	vm3 =	vcmask $0xF08  }
0x24: {  	[smem:$0x7FF] =	sst s3;
	s9 =	sshrl.u32 s8, $0x1;
	s10 =	smul.u32 $0x12, s6;
	vm2 =	vmor vm4, vm2;
	vm4 =	vcmask $0x1B14;
	vm3 =	vmor vm6, vm3  }
0x25: {  	s6 =	smul.u32 $0x6, s6;
	s8 =	ssub.s32 s8, s9;
	s9 =	simm.s32 $0x8000;
	vm1 =	vmor vm1, vm5;
	vm3 =	vmor vm3, vm4;
	vm4 =	vcmask $0x2720  }
0x26: {  	s4 =	sadd.s32 s0, s5;
	s7 =	sadd.s32 s7, s10;
	s8 =	smax.u32 s8, $0x1;
	vm2 =	vmor vm2, vm15;
	vm3 =	vmor vm3, vm4;
	vm4 =	vcmask $0x332C  }
0x27: {  	s10 =	simm.s32 $0x10000;
	s5 =	sadd.s32 $0x1000, s4;
	_ =	strace $0x80000047;
	v22 =	vsel vm15, $0x9, v22;
	v23 =	vsel vm5, $0xE, v23;
	vm3 =	vmor vm3, vm4  }
.LBB2_1:
0x28: {  	[tilespmem:s3], [sflag:$0x1] =	stream.linear.gather [hbm4b:s4+s3], $0x8000, $0x38;
	[tilespmem:$0x10100] =	vst v63  }
0x29: {  	p0 =	por $0x0, $0x0;
	s13 =	simm.s32 $0x0  }
0x2a: {  	v24 =	vimm.f32 $0.0e+00;
	v25 =	vimm.f32 $0.0e+00;
	[tilespmem:s9], [sflag:$0x2] =	stream.linear.gather [hbm4b:s5+s3], $0x8000, $0x38;
	[tilespmem:$0x10100] =	vst v63  }
.LBB2_2:
0x2b: {  	s16 =	sand.u32 $0x1, s13  }
0x2c: {  	p1 =	seq.s32 s16, $0x1  }
0x2d: {  	s14 =	simm.s32 @!p1 $0x1  }
0x2e: {  	_ =	swait.ge @!p1 [sflag:s14], $0x8000  }
0x2f: {  	s15 =	simm.s32 $0x1;
	p2 =	seq.s32 s16, $0x0;
	[sflag:s14] =	ssyncset.done @!p1 $0x0  }
0x30: {  	s15 =	simm.s32 @!p0 $0x0;
	s17 =	simm.s32 @!p2 $0x2;
	[sflag:s14] =	ssyncadd.s32 @!p1 $0xFFFF8000  }
0x31: {  	s31 =	sshll.u32 s15, $0xF;
	_ =	swait.ge @!p2 [sflag:s17], $0x8000  }
0x32: {  	s15 =	sshll.u32 s16, $0x3;
	s16 =	sshll.u32 s16, $0xF;
	[sflag:s17] =	ssyncset.done @!p2 $0x0  }
0x33: {  	v25 =	vpsel p2, $0x0, v25;
	v24 =	vpsel p2, $0x0, v24;
	s14 =	sor.u32 $0x400, s31;
	[sflag:s17] =	ssyncadd.s32 @!p2 $0xFFFF8000;
	s17 =	simm.s32 $0x0  }
.LBB2_3:
0x34: {  	v26 =	vld [tilespmem:s14+$0xFFFFFC00]  }
0x35: {  	v27 =	vld [tilespmem:s14+$0xFFFFFC10]  }
0x36: {  	v28 =	vld [tilespmem:s14+$0xFFFFFC20]  }
0x37: {  	v29 =	vld [tilespmem:s14+$0xFFFFFC30]  }
0x38: {  	v30 =	vld [tilespmem:s14+$0xFFFFFC40]  }
0x39: {  	v31 =	vimm.f32 $-Inf;
	v32 =	vld [tilespmem:s14+$0xFFFFFC50]  }
0x3a: {  	v33 =	vld [tilespmem:s14+$0xFFFFFC60];
	vm5 =	vgt.f32 v26, v31;
	vm4 =	vgt.f32 v27, v31  }
0x3b: {  	v26 =	vsel vm5, v26, v31;
	v27 =	vsel vm4, v27, v31;
	v31 =	vld [tilespmem:s14+$0xFFFFFC70]  }
0x3c: {  	v34 =	vld [tilespmem:s14+$0x10];
	vm8 =	vgt.f32 v28, v26;
	vm7 =	vgt.f32 v29, v27  }
0x3d: {  	v26 =	vsel vm8, v28, v26;
	v28 =	vld [tilespmem:s14+$0x0];
	v27 =	vsel vm7, v29, v27  }
0x3e: {  	v29 =	vld [tilespmem:s14+$0x20];
	vm6 =	vgt.f32 v30, v26;
	vm9 =	vgt.f32 v32, v27  }
0x3f: {  	v26 =	vsel vm6, v30, v26;
	v27 =	vsel vm9, v32, v27;
	v30 =	vld [tilespmem:s14+$0x30]  }
0x40: {  	v60 =	vld [tilespmem:s14+$0x40];
	vm10 =	vgt.f32 v33, v26;
	vm11 =	vgt.f32 v31, v27  }
0x41: {  	v33 =	vsel vm10, v33, v26;
	v27 =	vsel vm11, v31, v27;
	v31 =	vld [tilespmem:s14+$0x50]  }
0x42: {  	v35 =	vld [tilespmem:s14+$0x60];
	vm15 =	vmor vm5, vm8;
	vm13 =	vgt.f32 v28, v33;
	vm14 =	vgt.f32 v34, v27  }
0x43: {  	s19 =	sadd.s32 $0x800, s14;
	v61 =	vld [tilespmem:s14+$0x70];
	vm12 =	vmor vm6, vm10;
	v28 =	vsel vm13, v28, v33;
	v27 =	vsel vm14, v34, v27  }
0x44: {  	v62 =	vld [tilespmem:s19+$0xFFFFFC00];
	vm6 =	vmor vm9, vm11;
	vm9 =	vgt.f32 v29, v28;
	vm10 =	vgt.f32 v30, v27  }
0x45: {  	v36 =	vld [tilespmem:s19+$0xFFFFFC10];
	v28 =	vsel vm9, v29, v28;
	vm13 =	vmor vm13, vm9;
	v27 =	vsel vm10, v30, v27  }
0x46: {  	v37 =	vld [tilespmem:s19+$0xFFFFFC20];
	vm9 =	vmor vm14, vm10;
	vm11 =	vgt.f32 v60, v28;
	vm14 =	vgt.f32 v31, v27  }
0x47: {  	v26 =	vimm.s32 $0x0;
	v29 =	vld [tilespmem:s19+$0xFFFFFC30];
	v28 =	vsel vm11, v60, v28;
	v31 =	vsel vm14, v31, v27  }
0x48: {  	v32 =	vld [tilespmem:s19+$0x0];
	vm10 =	vmor vm4, vm7;
	vm4 =	vgt.f32 v35, v28;
	vm5 =	vgt.f32 v61, v31  }
0x49: {  	v30 =	vld [tilespmem:s19+$0xFFFFFC40];
	v28 =	vsel vm4, v35, v28;
	vm7 =	vmor vm11, vm4;
	v63 =	vsel vm5, v61, v31  }
0x4a: {  	v33 =	vld [tilespmem:s19+$0xFFFFFC50];
	vm11 =	vmor vm14, vm5;
	vm4 =	vgt.f32 v62, v28;
	vm5 =	vgt.f32 v36, v63  }
0x4b: {  	v31 =	vld [tilespmem:s19+$0xFFFFFC60];
	vm7 =	vmor vm7, vm13;
	v28 =	vsel vm4, v62, v28;
	v35 =	vsel vm5, v36, v63  }
0x4c: {  	s18 =	sshll.u32 s17, $0x7;
	s20 =	simm.s32 $0x1;
	v34 =	vld [tilespmem:s19+$0xFFFFFC70];
	vm12 =	vmor vm7, vm12;
	vm8 =	vgt.f32 v37, v28;
	vm7 =	vgt.f32 v29, v35  }
0x4d: {  	s22 =	simm.s32 $0x2;
	s21 =	simm.s32 $0x0;
	s23 =	sadd.s32 $0x800, s19;
	v27 =	vld [tilespmem:s19+$0x10];
	vm12 =	vmor vm12, vm15;
	v36 =	vsel vm8, v37, v28;
	v28 =	vimm.s32 $0x0  }
.LBB2_4:
0x4e: {  	v37 =	vld [tilespmem:s23+$0x10];
	p2 =	sne.s32 s22, $0xF;
	v29 =	vsel vm7, v29, v35;
	vm13 =	vgt.f32 v30, v36;
	v26 =	vsel vm12, s21, v26;
	s24 =	smov.u32 s22;
	s22 =	sadd.s32 $0x1, s22  }
0x4f: {  	vm9 =	vmor vm11, vm9;
	vm14 =	vgt.f32 v33, v29;
	v30 =	vsel vm13, v30, v36;
	v35 =	vld [tilespmem:s19+$0x20]  }
0x50: {  	vm6 =	vmor vm9, vm6;
	v29 =	vsel vm14, v33, v29;
	vm11 =	vgt.f32 v31, v30;
	v33 =	vld [tilespmem:s19+$0x30]  }
0x51: {  	vm6 =	vmor vm6, vm10;
	vm9 =	vgt.f32 v34, v29;
	v30 =	vsel vm11, v31, v30;
	v31 =	vld [tilespmem:s19+$0x40]  }
0x52: {  	v28 =	vsel vm6, s21, v28;
	s21 =	smov.u32 s20;
	s20 =	smov.u32 s24;
	v29 =	vsel vm9, v34, v29;
	vm10 =	vgt.f32 v32, v30;
	v34 =	vld [tilespmem:s19+$0x50]  }
0x53: {  	vm12 =	vmor vm13, vm11;
	vm11 =	vgt.f32 v27, v29;
	v30 =	vsel vm10, v32, v30;
	v32 =	vld [tilespmem:s19+$0x60]  }
0x54: {  	vm6 =	vmor vm14, vm9;
	v29 =	vsel vm11, v27, v29;
	vm9 =	vgt.f32 v35, v30;
	v36 =	vld [tilespmem:s19+$0x70];
	v27 =	vmovc v37;
	s19 =	smov.u32 s23  }
0x55: {  	v37 =	vld [tilespmem:s23+$0xFFFFFC00];
	vm13 =	vgt.f32 v33, v29;
	v30 =	vsel vm9, v35, v30;
	vm14 =	vmor vm10, vm9  }
0x56: {  	v35 =	vld [tilespmem:s23+$0xFFFFFC10];
	v33 =	vsel vm13, v33, v29;
	vm9 =	vmor vm11, vm13;
	vm11 =	vgt.f32 v31, v30  }
0x57: {  	vm13 =	vmor vm4, vm8;
	v38 =	vld [tilespmem:s23+$0xFFFFFC20];
	vm8 =	vgt.f32 v34, v33;
	v31 =	vsel vm11, v31, v30  }
0x58: {  	vm10 =	vmor vm5, vm7;
	v29 =	vld [tilespmem:s23+$0xFFFFFC30];
	v34 =	vsel vm8, v34, v33;
	vm4 =	vgt.f32 v32, v31  }
.Ltmp0:
0x59: {  	v30 =	vld [tilespmem:s23+$0xFFFFFC40];
	vm5 =	vgt.f32 v36, v34;
	v31 =	vsel vm4, v32, v31;
	vm7 =	vmor vm11, vm4;
	(pc) =	sbr.rel @p2 .LBB2_4-.Ltmp0, $4  }
0x5a: {  	vm4 =	vgt.f32 v37, v31;
	v33 =	vld [tilespmem:s23+$0xFFFFFC50];
	v32 =	vsel vm5, v36, v34;
	vm11 =	vmor vm8, vm5  }
0x5b: {  	vm7 =	vmor vm7, vm14;
	vm5 =	vgt.f32 v35, v32;
	v36 =	vsel vm4, v37, v31;
	v31 =	vld [tilespmem:s23+$0xFFFFFC60]  }
0x5c: {  	vm12 =	vmor vm7, vm12;
	v35 =	vsel vm5, v35, v32;
	vm8 =	vgt.f32 v38, v36;
	v34 =	vld [tilespmem:s23+$0xFFFFFC70]  }
0x5d: {  	s23 =	sadd.s32 $0x800, s23;
	vm12 =	vmor vm12, vm13;
	vm7 =	vgt.f32 v29, v35;
	v36 =	vsel vm8, v38, v36;
	v32 =	vld [tilespmem:s19+$0x0]  }
0x5e: {  	v29 =	vsel vm7, v29, v35  }
0x5f: {  	vm13 =	vgt.f32 v30, v36;
	v59 =	vld [tilespmem:s19+$0x20];
	vm14 =	vgt.f32 v33, v29  }
0x60: {  	v60 =	vld [tilespmem:s19+$0x30];
	v30 =	vsel vm13, v30, v36;
	v29 =	vsel vm14, v33, v29  }
0x61: {  	v61 =	vld [tilespmem:s19+$0x40];
	vm15 =	vgt.f32 v31, v30;
	vm0 =	vgt.f32 v34, v29  }
0x62: {  	v26 =	vsel vm12, s21, v26;
	v62 =	vld [tilespmem:s19+$0x50];
	v30 =	vsel vm15, v31, v30;
	v29 =	vsel vm0, v34, v29  }
0x63: {  	vm9 =	vmor vm11, vm9;
	v63 =	vld [tilespmem:s19+$0x60];
	vm11 =	vgt.f32 v32, v30;
	vm12 =	vgt.f32 v27, v29  }
0x64: {  	v37 =	vld [tilespmem:s19+$0x70];
	vm6 =	vmor vm9, vm6;
	v30 =	vsel vm11, v32, v30;
	v27 =	vsel vm12, v27, v29  }
0x65: {  	vm6 =	vmor vm6, vm10;
	vm9 =	vgt.f32 v59, v30;
	vm10 =	vgt.f32 v60, v27  }
0x66: {  	v28 =	vsel vm6, s21, v28;
	v30 =	vsel vm9, v59, v30;
	v27 =	vsel vm10, v60, v27  }
0x67: {  	vm6 =	vmor vm13, vm15;
	vm13 =	vgt.f32 v61, v30;
	vm15 =	vgt.f32 v62, v27  }
0x68: {  	vm0 =	vmor vm14, vm0;
	v30 =	vsel vm13, v61, v30;
	v27 =	vsel vm15, v62, v27  }
0x69: {  	vm9 =	vmor vm11, vm9;
	vm11 =	vgt.f32 v63, v30;
	vm14 =	vgt.f32 v37, v27  }
0x6a: {  	vm10 =	vmor vm12, vm10;
	vm12 =	vmor vm13, vm11;
	vm13 =	vmor vm15, vm14  }
0x6b: {  	vm4 =	vmor vm4, vm8;
	vm12 =	vmor vm12, vm9;
	vm15 =	vmor vm13, vm10  }
0x6c: {  	vm5 =	vmor vm5, vm7;
	vm6 =	vmor vm12, vm6;
	vm0 =	vmor vm15, vm0  }
0x6d: {  	v30 =	vsel vm11, v63, v30;
	vm4 =	vmor vm6, vm4;
	vm0 =	vmor vm0, vm5  }
0x6e: {  	v27 =	vsel vm14, v37, v27;
	v26 =	vsel vm4, s20, v26;
	v28 =	vsel vm0, s20, v28  }
0x6f: {  	vm0 =	veq.f32 v27, v30;
	vm4 =	vlt.s32 v28, v26  }
0x70: {  	vm5 =	vgt.f32 v27, v30;
	vm0 =	vmand vm0, vm4  }
0x71: {  	vm0 =	vmor vm5, vm0  }
0x72: {  	v27 =	vsel vm0, v27, v30  }
0x73: {  	v38 =	vperm.xlane v27, v0;
	_ =	sdelay $0x1  }
0x74: {  	v29 =	vmax.f32 v27, v38  }
0x75: {  	v39 =	vperm.xlane v29, v1;
	_ =	sdelay $0x1  }
0x76: {  	v29 =	vmax.f32 v29, v39  }
0x77: {  	v30 =	vperm.xlane v29, v2;
	_ =	sdelay $0x1  }
0x78: {  	v29 =	vmax.f32 v29, v30  }
0x79: {  	v30 =	vperm.xlane v29, v4;
	_ =	sdelay $0x1  }
0x7a: {  	v29 =	vmax.f32 v29, v30  }
0x7b: {  	v26 =	vsel vm0, v28, v26;
	vm0 =	veq.f32 v27, v29  }
0x7c: {  	v26 =	vnsel vm0, $0x40000000, v26  }
0x7d: {  	v27 =	vperm.xlane v26, v0;
	_ =	sdelay $0x1  }
0x7e: {  	vm0 =	vlt.s32 v26, v27  }
0x7f: {  	v26 =	vsel vm0, v26, v27  }
0x80: {  	v27 =	vperm.xlane v26, v1;
	_ =	sdelay $0x1  }
0x81: {  	vm0 =	vlt.s32 v26, v27  }
0x82: {  	v26 =	vsel vm0, v26, v27  }
0x83: {  	v27 =	vperm.xlane v26, v2;
	_ =	sdelay $0x1  }
0x84: {  	vm0 =	vlt.s32 v26, v27  }
0x85: {  	v26 =	vsel vm0, v26, v27  }
0x86: {  	v27 =	vperm.xlane v26, v4;
	_ =	sdelay $0x1  }
0x87: {  	vm0 =	vlt.s32 v26, v27  }
0x88: {  	v26 =	vsel vm0, v26, v27  }
0x89: {  	(v2sf) =	vpush v26, $0x0;
	_ =	sdelay $0xe  }
0x8a: {  	s28 =	spop (v2sf)  }
0x8b: {  	s29 =	sshll.u32 s28, $0xD  }
0x8c: {  	s20 =	sshra.s32 s29, $0x2  }
0x8d: {  	s20 =	sadd.s32 s20, s16  }
0x8e: {  	s18 =	sadd.s32 s18, s20  }
0x8f: {  	v26 =	vld [tilespmem:s18+$0x0]  }
0x90: {  	v27 =	vld [tilespmem:s18+$0x10]  }
0x91: {  	v40 =	vld [tilespmem:s18+$0x20]  }
0x92: {  	v41 =	vld [tilespmem:s18+$0x30]  }
0x93: {  	v42 =	vld [tilespmem:s18+$0x40]  }
0x94: {  	v43 =	vld [tilespmem:s18+$0x50]  }
0x95: {  	vm0 =	veq.f32 v26, v29;
	vm4 =	veq.f32 v27, v29;
	v26 =	vld [tilespmem:s18+$0x60]  }
0x96: {  	v45 =	vld [tilespmem:s18+$0x70];
	v27 =	vnsel vm0, $0x40000000, v3;
	v44 =	vnsel vm4, $0x40000000, v5;
	vm0 =	veq.f32 v40, v29  }
0x97: {  	v48 =	vld [tilespmem:s18+$0x400];
	vm4 =	veq.f32 v41, v29;
	v46 =	vmin.u32 v27, v6;
	v47 =	vmin.u32 v44, v7  }
0x98: {  	v49 =	vld [tilespmem:s18+$0x410];
	v27 =	vsel vm0, v46, v27;
	v30 =	vsel vm4, v47, v44;
	vm0 =	veq.f32 v42, v29  }
0x99: {  	v52 =	vld [tilespmem:s18+$0x420];
	vm4 =	veq.f32 v43, v29;
	v50 =	vmin.u32 v27, v8;
	v51 =	vmin.u32 v30, v9  }
0x9a: {  	v27 =	vsel vm0, v50, v27;
	v30 =	vsel vm4, v51, v30;
	vm0 =	veq.f32 v26, v29;
	v26 =	vld [tilespmem:s18+$0x430]  }
0x9b: {  	v55 =	vld [tilespmem:s18+$0x440];
	vm4 =	veq.f32 v45, v29;
	v53 =	vmin.u32 v27, v10;
	v54 =	vmin.u32 v30, v11  }
0x9c: {  	v56 =	vld [tilespmem:s18+$0x450];
	v27 =	vsel vm0, v53, v27;
	v28 =	vsel vm4, v54, v30;
	vm0 =	veq.f32 v48, v29  }
0x9d: {  	v58 =	vld [tilespmem:s18+$0x460];
	vm4 =	veq.f32 v49, v29;
	v32 =	vmin.u32 v27, v12;
	v57 =	vmin.u32 v28, v13  }
0x9e: {  	v59 =	vld [tilespmem:s18+$0x470];
	v27 =	vsel vm0, v32, v27;
	v28 =	vsel vm4, v57, v28;
	vm0 =	veq.f32 v52, v29  }
0x9f: {  	v32 =	vmin.u32 v27, v14;
	vm4 =	veq.f32 v26, v29;
	v26 =	vmin.u32 v28, v15  }
0xa0: {  	v27 =	vsel vm0, v32, v27;
	v26 =	vsel vm4, v26, v28;
	vm0 =	veq.f32 v55, v29  }
0xa1: {  	vm4 =	veq.f32 v56, v29;
	v60 =	vmin.u32 v27, v16;
	v61 =	vmin.u32 v26, v17  }
0xa2: {  	v27 =	vsel vm0, v60, v27;
	v26 =	vsel vm4, v61, v26;
	vm0 =	veq.f32 v58, v29  }
0xa3: {  	vm4 =	veq.f32 v59, v29;
	v28 =	vmin.u32 v27, v18;
	v62 =	vmin.u32 v26, v19  }
0xa4: {  	v27 =	vsel vm0, v28, v27;
	v26 =	vsel vm4, v62, v26  }
0xa5: {  	v26 =	vmin.u32 v27, v26  }
0xa6: {  	v27 =	vperm.xlane v26, v0;
	_ =	sdelay $0x1  }
0xa7: {  	vm0 =	vlt.s32 v26, v27  }
0xa8: {  	v26 =	vsel vm0, v26, v27  }
0xa9: {  	v27 =	vperm.xlane v26, v1;
	_ =	sdelay $0x1  }
0xaa: {  	vm0 =	vlt.s32 v26, v27  }
0xab: {  	v26 =	vsel vm0, v26, v27  }
0xac: {  	v27 =	vperm.xlane v26, v2;
	_ =	sdelay $0x1  }
0xad: {  	vm0 =	vlt.s32 v26, v27  }
0xae: {  	v26 =	vsel vm0, v26, v27  }
0xaf: {  	v27 =	vperm.xlane v26, v4;
	_ =	sdelay $0x1  }
0xb0: {  	vm0 =	vlt.s32 v26, v27  }
0xb1: {  	s31 =	sadd.s32 s15, s17;
	s17 =	sadd.s32 $0x1, s17;
	s30 =	sshll.u32 s28, $0x8;
	v26 =	vsel vm0, v26, v27  }
0xb2: {  	p2 =	sne.s32 s17, $0x8;
	v27 =	vadd.s32 s30, v26;
	v26 =	vand.u32 $0x3F, v26  }
.Ltmp1:
0xb3: {  	vm0 =	vgt.s32 v27, $0x0;
	vm4 =	veq.s32 v26, $0x0;
	(pc) =	sbr.rel @p2 .LBB2_3-.Ltmp1, $4  }
0xb4: {  	v63 =	vmov s31;
	vm0 =	vmand vm0, vm4  }
0xb5: {  	vm5 =	vlt.s32 v27, $0x40;
	v26 =	vsel vm0, $0x3F800000, v20;
	v27 =	vsel vm0, $0x0, v20  }
0xb6: {  	vm0 =	veq.s32 v63, v3;
	v26 =	vsel vm5, $0x0, v26;
	v27 =	vsel vm5, $0x3F800000, v27  }
0xb7: {  	s14 =	sadd.s32 $0x80, s14;
	v25 =	vsel vm0, v26, v25;
	v24 =	vsel vm0, v27, v24  }
0xb8: {  	s14 =	sand.u32 $0x5, s13  }
0xb9: {  	s15 =	sadd.s32 $0x2, s13;
	p2 =	seq.s32 s14, $0x1  }
0xba: {  	s16 =	sadd.s32 @p2 s6, s15  }
0xbb: {  	s17 =	simm.s32 @p2 $0x0;
	s16 =	sshll.u32 @p2 s16, $0xC  }
0xbc: {  	s18 =	simm.s32 @p2 $0x8000;
	p3 =	sne.s32 @!p2 s14, $0x0;
	s16 =	sadd.s32 @p2 s0, s16  }
0xbd: {  	[tilespmem:s18], [sflag:$0x2] =	stream.linear.gather @p2 [hbm4b:s16+s17], $0x8000, $0x38;
	[tilespmem:$0x10100] =	vst v63  }
0xbe: {  	p2 =	por p3, p2  }
0xbf: {  	s14 =	sadd.s32 @!p2 s6, s15  }
0xc0: {  	v29 =	vld @p1 [tilespmem:$0x1FFF0];
	s14 =	sshll.u32 @!p2 s14, $0xC  }
0xc1: {  	s14 =	sand.u32 @!p2 $0x1FFFE000, s14  }
0xc2: {  	s15 =	simm.s32 @!p2 $0x0;
	s14 =	sadd.s32 @!p2 s0, s14  }
0xc3: {  	[tilespmem:s15], [sflag:$0x1] =	stream.linear.gather @!p2 [hbm4b:s14+s15], $0x8000, $0x38;
	[tilespmem:$0x10100] =	vst v63  }
0xc4: {  	v26 =	vperm.xlane @p1 v24, v21;
	s14 =	sshrl.u32 @p1 s13, $0x1  }
0xc5: {  	v27 =	vperm.xlane @p1 v25, v21;
	v28 =	vperm.xlane @p1 v24, v22;
	vm0 =	vnez.u8 @p1 v29;
	s14 =	smul.u32 @p1 $0xC0, s14  }
0xc6: {  	v30 =	vperm.xlane @p1 v24, v23;
	v29 =	vperm.xlane @p1 v25, v22;
	v26 =	vsel @p1 vm0, $0x0, v26  }
0xc7: {  	v26 =	vsel @p1 vm1, v27, v26;
	v27 =	vnsel @p1 vm1, $0x0, v28;
	v28 =	vperm.xlane @p1 v25, v23;
	s14 =	sshra.s32 @p1 s14, $0x2  }
0xc8: {  	[tilespmem:s14+$0x10000] =	vst @p1 v26;
	v26 =	vsel @p1 vm2, v27, v29;
	v27 =	vsel @p1 vm1, $0x0, v30  }
0xc9: {  	s13 =	sadd.s32 $0x1, s13;
	[tilespmem:s14+$0x10010] =	vst @p1 v26;
	v26 =	vsel @p1 vm3, v27, v28  }
0xca: {  	[tilespmem:s14+$0x10020] =	vst @p1 v26;
	p1 =	sne.s32 s13, $0x6  }
.Ltmp2:
0xcb: {  	_ = 	snop;
	(pc) =	sbr.rel @p1 .LBB2_2-.Ltmp2, $2  }
0xcc: {  	_ =	sdelay $0x2  }
0xcd: {  	p0 =	por !p0, !p0  }
0xce: {  	s12 =	sadd.s32 $0x1, s12  }
0xcf: {  	p0 =	sne.s32 s12, s8  }
.Ltmp3:
0xd0: {  	_ = 	snop;
	(pc) =	sbr.rel @p0 .LBB2_1-.Ltmp3, $4  }
0xd1: {  	[hbm4b:s7+s3] =	stream.linear.scatter [tilespmem:s10], [sflag:$0x3], $0x90, $0x38;
	[tilespmem:$0x10100] =	vst v63  }
0xd2: {  	_ =	swait.ge [sflag:s11], $0x90  }
0xd3: {  	[sflag:s11] =	ssyncset.done $0x0  }
0xd4: {  	[sflag:s11] =	ssyncadd.s32 $0xFFFFFF70  }
0xd5: {  	_ =	sfence.sel $0x180000  }
0xd6: {  	[bflag:$0x0] =	sbarrier.arrive $0xFFFF  }
0xd7: {  	p0 =	sne.s32 s1, $0x0;
	_ =	strace $0x90000047  }
0xd8: {  	s0 =	sadd.s32 @!p0 $0x100000, s2;
	[bflag:$0x2] =	sbarrier.arrive $0xFFFF  }
0xd9: {  	[sflag:s0] =	ssyncadd.tile.s32 @!p0 $0x1;
	_ =	shalt  }
.Lfunc_end2:
_tile_overlayer_lowered:
.L_overlay_start_2:
0xda: {  	(tag) =	ssettag $0x2  }
0xdb: {  	s0 =	rddreg [dreg:$0x0];
	s2 =	stileid.u32  }
0xdc: {  	s1 =	rddreg [dreg:$0x1];
	p0 =	sne.s32 s2, $0x0  }
0xdd: {  	s3 =	rddreg [dreg:$0x2];
	[bflag:$0x3] =	sbarrier.arrive $0xFFFF;
	s2 =	simm.s32 @!p0 $0x1C04  }
0xde: {  	[timem:s3], [sflag:s2] =	dma.local @!p0 [hbm:s0], s1  }
0xdf: {  	s0 =	simm.s32 @!p0 $0x4  }
0xe0: {  	_ =	swait.ge @!p0 [sflag:s0], s1  }
0xe1: {  	s1 =	ssub.s32 @!p0 $0x0, s1;
	[sflag:s0] =	ssyncset.done @!p0 $0x0  }
0xe2: {  	[sflag:s0] =	ssyncadd.s32 @!p0 s1  }
0xe3: {  	[bflag:$0x3] =	sbarrier.arrive $0xFFFF  }
0xe4: {  	_ =	shalt  }

</sc_bundles>
